<compile_context>
chip_gen: v7x
topology: tpu7x:2x2x1
jax: 0.10.2.dev20260603
libtpu: 0.0.44.dev20260713+nightly
codegen_flags: <defaults>
</compile_context>

<pallas_src>
import dataclasses
import functools
import jax
import jax.numpy as jnp
from jax import lax
from jax.experimental import pallas as pl
from jax.experimental.pallas import tpu as pltpu
from jax.experimental.pallas import tpu_sc as plsc

_COL_A = 5
_COL_B = 1000
_ROWS = 8192
_COLS = 4096
_NC = 2
_NS = 16
_NW = _NC * _NS
_RPW = _ROWS // _NW
_RB = 4
_NBLK = _RPW // _RB
_BW = _RB * _COLS


def _make_sc_kernel():
    mesh = plsc.VectorSubcoreMesh(core_axis_name="c", subcore_axis_name="s")
    cp = pltpu.CompilerParams()
    if "needs_layout_passes" in pltpu.CompilerParams.__dataclass_fields__:
        cp = dataclasses.replace(cp, needs_layout_passes=False)

    @functools.partial(
        pl.kernel,
        mesh=mesh,
        compiler_params=cp,
        out_type=jax.ShapeDtypeStruct((_ROWS * _COLS,), jnp.float32),
        scratch_types=[
            pltpu.VMEM((_BW,), jnp.float32),
            pltpu.VMEM((_BW,), jnp.float32),
            pltpu.VMEM((_BW,), jnp.float32),
            pltpu.VMEM((_BW,), jnp.float32),
            pltpu.SemaphoreType.DMA((4,)),
            pltpu.SemaphoreType.DMA((4,)),
        ],
    )
    def sc_swap(x_hbm, o_hbm, buf0, buf1, buf2, buf3, isem, osem):
        bufs = (buf0, buf1, buf2, buf3)
        wid = lax.axis_index("c") * _NS + lax.axis_index("s")
        base = wid * _RPW * _COLS
        iota = lax.iota(jnp.int32, 16)

        def _fix(buf):
            for r in range(_RB):
                off = r * _COLS
                idx_a = jnp.where(iota == _COL_A, _COL_B, iota) + off
                idx_b = jnp.where(iota + 992 == _COL_B, _COL_A - 992, iota) + (off + 992)
                new_a = plsc.load_gather(buf, [idx_a])
                new_b = plsc.load_gather(buf, [idx_b])
                buf[pl.ds(off, 16)] = new_a
                buf[pl.ds(off + 992, 16)] = new_b

        def _start_in(k, b):
            c = pltpu.make_async_copy(
                x_hbm.at[pl.ds(base + k * _BW, _BW)], bufs[b], isem.at[b]
            )
            c.start()
            return c

        def _wait_in(b):
            pltpu.make_async_copy(
                x_hbm.at[pl.ds(0, _BW)], bufs[b], isem.at[b]
            ).wait()

        def _start_out(k, b):
            pltpu.make_async_copy(
                bufs[b], o_hbm.at[pl.ds(base + k * _BW, _BW)], osem.at[b]
            ).start()

        def _wait_out(b):
            pltpu.make_async_copy(
                bufs[b], o_hbm.at[pl.ds(0, _BW)], osem.at[b]
            ).wait()

        for b in range(4):
            _start_in(b, b)

        @pl.loop(0, _NBLK, step=4)
        def _(k):
            for b in range(4):
                _wait_in(b)
                _fix(bufs[b])
                _start_out(k + b, b)

                @pl.when(k + b + 4 < _NBLK)
                def _():
                    _wait_out(b)
                    _start_in(k + b + 4, b)

        for b in range(4):
            _wait_out(b)

    return sc_swap


_sc_swap = _make_sc_kernel()


def kernel(x):
    return _sc_swap(x.reshape(-1)).reshape(_ROWS, _COLS)

# --- scband reference (transcript-rebuilt; emitter-appended) ---
"""Pipeline reference for scband-swap-32469952758437 (READ-ONLY COPY).

The authoritative reference and input builder live on the scoring server;
editing this copy changes nothing except your own understanding.
"""

import jax, jax.numpy as jnp
import numpy as np

A = 5
B = 1000

def setup_inputs(seed: int = 0) -> dict:
    key = jax.random.key(seed)
    x = jax.random.normal(key, (8192, 4096), dtype=jnp.float32)
    return {"x": x}

def reference(x):
    # Swap columns A and B along axis 1 (scatter-overwrite semantics,
    # faithful to Theano set_subtensor in the original layer)
    tmp = x[:, A]
    x = x.at[:, A].set(x[:, B])
    x = x.at[:, B].set(tmp)
    return x

if __name__ == "__main__":
    import jax
    _d = setup_inputs()
    print(jax.jit(kernel)(*tuple(_d.values())))

</pallas_src>

<mosaic_0001>
#map = affine_map<(d0, d1) -> (0)>
module attributes {stable_mosaic.version = 14 : i64} {
  func.func @sc_swap(%arg0: i32, %arg1: i32, %arg2: memref<33554432xf32, #tpu.memory_space<hbm>>, %arg3: memref<33554432xf32, #tpu.memory_space<hbm>>, %arg4: memref<16384xf32, #tpu.memory_space<vmem>>, %arg5: memref<16384xf32, #tpu.memory_space<vmem>>, %arg6: memref<16384xf32, #tpu.memory_space<vmem>>, %arg7: memref<16384xf32, #tpu.memory_space<vmem>>, %arg8: memref<4x!tpu.dma_semaphore, #tpu.memory_space<semaphore_mem>>, %arg9: memref<4x!tpu.dma_semaphore, #tpu.memory_space<semaphore_mem>>) attributes {dimension_semantics = [#tpu.dimension_semantics<core_parallel>, #tpu.dimension_semantics<subcore_parallel>], iteration_bounds = array<i64: 2, 16>, scalar_prefetch = 0 : i64, scratch_operands = 6 : i64, tpu.core_type = #tpu.core_type<sc_vector_subcore>, window_params = [{transform_indices = #map}, {transform_indices = #map}]} {
    %mul3A = arith.constant 16 : i32
    %mul3A_0 = arith.muli %arg0, %mul3A : i32
    %add3A = arith.addi %mul3A_0, %arg1 : i32
    %mul3A_1 = arith.constant 256 : i32
    %mul3A_2 = arith.muli %add3A, %mul3A_1 : i32
    %mul3A_3 = arith.constant 4096 : i32
    %mul3A_4 = arith.muli %mul3A_2, %mul3A_3 : i32
    %iota3A = tpu.iota {dimensions = array<i32: 0>} : vector<16xi32>
    %add3A_5 = arith.constant 0 : i32
    %add3A_6 = arith.addi %mul3A_4, %add3A_5 : i32
    %dma_start3A = arith.constant 0 : i32
    %dma_start3A_7 = tpu.memref_slice %arg2[%add3A_6] : memref<33554432xf32, #tpu.memory_space<hbm>> -> memref<16384xf32, #tpu.memory_space<hbm>>
    %dma_start3A_8 = tpu.memref_slice %arg8[%dma_start3A] : memref<4x!tpu.dma_semaphore, #tpu.memory_space<semaphore_mem>> -> memref<1x!tpu.dma_semaphore, #tpu.memory_space<semaphore_mem>>
    %dma_start3A_9 = tpu.memref_squeeze %dma_start3A_8 : memref<1x!tpu.dma_semaphore, #tpu.memory_space<semaphore_mem>> -> memref<!tpu.dma_semaphore, #tpu.memory_space<semaphore_mem>>
    %dma_start3A_10 = tpu.memref_slice %arg2[%add3A_6] : memref<33554432xf32, #tpu.memory_space<hbm>> -> memref<16384xf32, #tpu.memory_space<hbm>>
    tpu.enqueue_dma source(%dma_start3A_10 : memref<16384xf32, #tpu.memory_space<hbm>>) target(%arg4 : memref<16384xf32, #tpu.memory_space<vmem>>) target_semaphore(%dma_start3A_9 : memref<!tpu.dma_semaphore, #tpu.memory_space<semaphore_mem>>)
    %add3A_11 = arith.constant 16384 : i32
    %add3A_12 = arith.addi %mul3A_4, %add3A_11 : i32
    %dma_start3A_13 = arith.constant 1 : i32
    %dma_start3A_14 = tpu.memref_slice %arg2[%add3A_12] : memref<33554432xf32, #tpu.memory_space<hbm>> -> memref<16384xf32, #tpu.memory_space<hbm>>
    %dma_start3A_15 = tpu.memref_slice %arg8[%dma_start3A_13] : memref<4x!tpu.dma_semaphore, #tpu.memory_space<semaphore_mem>> -> memref<1x!tpu.dma_semaphore, #tpu.memory_space<semaphore_mem>>
    %dma_start3A_16 = tpu.memref_squeeze %dma_start3A_15 : memref<1x!tpu.dma_semaphore, #tpu.memory_space<semaphore_mem>> -> memref<!tpu.dma_semaphore, #tpu.memory_space<semaphore_mem>>
    %dma_start3A_17 = tpu.memref_slice %arg2[%add3A_12] : memref<33554432xf32, #tpu.memory_space<hbm>> -> memref<16384xf32, #tpu.memory_space<hbm>>
    tpu.enqueue_dma source(%dma_start3A_17 : memref<16384xf32, #tpu.memory_space<hbm>>) target(%arg5 : memref<16384xf32, #tpu.memory_space<vmem>>) target_semaphore(%dma_start3A_16 : memref<!tpu.dma_semaphore, #tpu.memory_space<semaphore_mem>>)
    %add3A_18 = arith.constant 32768 : i32
    %add3A_19 = arith.addi %mul3A_4, %add3A_18 : i32
    %dma_start3A_20 = arith.constant 2 : i32
    %dma_start3A_21 = tpu.memref_slice %arg2[%add3A_19] : memref<33554432xf32, #tpu.memory_space<hbm>> -> memref<16384xf32, #tpu.memory_space<hbm>>
    %dma_start3A_22 = tpu.memref_slice %arg8[%dma_start3A_20] : memref<4x!tpu.dma_semaphore, #tpu.memory_space<semaphore_mem>> -> memref<1x!tpu.dma_semaphore, #tpu.memory_space<semaphore_mem>>
    %dma_start3A_23 = tpu.memref_squeeze %dma_start3A_22 : memref<1x!tpu.dma_semaphore, #tpu.memory_space<semaphore_mem>> -> memref<!tpu.dma_semaphore, #tpu.memory_space<semaphore_mem>>
    %dma_start3A_24 = tpu.memref_slice %arg2[%add3A_19] : memref<33554432xf32, #tpu.memory_space<hbm>> -> memref<16384xf32, #tpu.memory_space<hbm>>
    tpu.enqueue_dma source(%dma_start3A_24 : memref<16384xf32, #tpu.memory_space<hbm>>) target(%arg6 : memref<16384xf32, #tpu.memory_space<vmem>>) target_semaphore(%dma_start3A_23 : memref<!tpu.dma_semaphore, #tpu.memory_space<semaphore_mem>>)
    %add3A_25 = arith.constant 49152 : i32
    %add3A_26 = arith.addi %mul3A_4, %add3A_25 : i32
    %dma_start3A_27 = arith.constant 3 : i32
    %dma_start3A_28 = tpu.memref_slice %arg2[%add3A_26] : memref<33554432xf32, #tpu.memory_space<hbm>> -> memref<16384xf32, #tpu.memory_space<hbm>>
    %dma_start3A_29 = tpu.memref_slice %arg8[%dma_start3A_27] : memref<4x!tpu.dma_semaphore, #tpu.memory_space<semaphore_mem>> -> memref<1x!tpu.dma_semaphore, #tpu.memory_space<semaphore_mem>>
    %dma_start3A_30 = tpu.memref_squeeze %dma_start3A_29 : memref<1x!tpu.dma_semaphore, #tpu.memory_space<semaphore_mem>> -> memref<!tpu.dma_semaphore, #tpu.memory_space<semaphore_mem>>
    %dma_start3A_31 = tpu.memref_slice %arg2[%add3A_26] : memref<33554432xf32, #tpu.memory_space<hbm>> -> memref<16384xf32, #tpu.memory_space<hbm>>
    tpu.enqueue_dma source(%dma_start3A_31 : memref<16384xf32, #tpu.memory_space<hbm>>) target(%arg7 : memref<16384xf32, #tpu.memory_space<vmem>>) target_semaphore(%dma_start3A_30 : memref<!tpu.dma_semaphore, #tpu.memory_space<semaphore_mem>>)
    %scan3A = arith.constant 0 : i32
    %scan3A_32 = arith.constant 16 : i32
    %scan3A_33 = arith.addi %scan3A, %scan3A_32 : i32
    %scan3A_34 = arith.constant 1 : i32
    scf.for %scan3A_63 = %scan3A to %scan3A_33 step %scan3A_34  : i32 {
      %mul3A_64 = arith.constant 4 : i32
      %mul3A_65 = arith.muli %scan3A_63, %mul3A_64 : i32
      %add3A_66 = arith.constant 0 : i32
      %add3A_67 = arith.addi %add3A_66, %mul3A_65 : i32
      %dma_wait3A_68 = arith.constant 0 : i32
      %dma_wait3A_69 = arith.constant 0 : i32
      %dma_wait3A_70 = tpu.memref_slice %arg2[%dma_wait3A_69] : memref<33554432xf32, #tpu.memory_space<hbm>> -> memref<16384xf32, #tpu.memory_space<hbm>>
      %dma_wait3A_71 = tpu.memref_slice %arg8[%dma_wait3A_68] : memref<4x!tpu.dma_semaphore, #tpu.memory_space<semaphore_mem>> -> memref<1x!tpu.dma_semaphore, #tpu.memory_space<semaphore_mem>>
      %dma_wait3A_72 = tpu.memref_squeeze %dma_wait3A_71 : memref<1x!tpu.dma_semaphore, #tpu.memory_space<semaphore_mem>> -> memref<!tpu.dma_semaphore, #tpu.memory_space<semaphore_mem>>
      %dma_wait3A_73 = arith.constant 0 : i32
      %dma_wait3A_74 = tpu.memref_slice %arg2[%dma_wait3A_73] : memref<33554432xf32, #tpu.memory_space<hbm>> -> memref<16384xf32, #tpu.memory_space<hbm>>
      tpu.wait_dma2 semaphore(%dma_wait3A_72 : memref<!tpu.dma_semaphore, #tpu.memory_space<semaphore_mem>>) src(%dma_wait3A_74 : memref<16384xf32, #tpu.memory_space<hbm>>) dst(%arg4 : memref<16384xf32, #tpu.memory_space<vmem>>)
      %eq3A = arith.constant 5 : i32
      %eq3A_75 = vector.broadcast %eq3A : i32 to vector<16xi32>
      %eq3A_76 = arith.cmpi eq, %iota3A, %eq3A_75 : vector<16xi32>
      %jit3A = arith.constant 1000 : i32
      %broadcast_in_dim3A = vector.broadcast %jit3A : i32 to vector<16xi32>
      %select_n3A = arith.select %eq3A_76, %broadcast_in_dim3A, %iota3A : vector<16xi1>, vector<16xi32>
      %add3A_77 = arith.constant 0 : i32
      %add3A_78 = vector.broadcast %add3A_77 : i32 to vector<16xi32>
      %add3A_79 = arith.addi %select_n3A, %add3A_78 : vector<16xi32>
      %add3A_80 = arith.constant 992 : i32
      %add3A_81 = vector.broadcast %add3A_80 : i32 to vector<16xi32>
      %add3A_82 = arith.addi %iota3A, %add3A_81 : vector<16xi32>
      %eq3A_83 = arith.constant 1000 : i32
      %eq3A_84 = vector.broadcast %eq3A_83 : i32 to vector<16xi32>
      %eq3A_85 = arith.cmpi eq, %add3A_82, %eq3A_84 : vector<16xi32>
      %jit3A_86 = arith.constant -987 : i32
      %broadcast_in_dim3A_87 = vector.broadcast %jit3A_86 : i32 to vector<16xi32>
      %select_n3A_88 = arith.select %eq3A_85, %broadcast_in_dim3A_87, %iota3A : vector<16xi1>, vector<16xi32>
      %add3A_89 = arith.constant 992 : i32
      %add3A_90 = vector.broadcast %add3A_89 : i32 to vector<16xi32>
      %add3A_91 = arith.addi %select_n3A_88, %add3A_90 : vector<16xi32>
      %gather3A = tpu.vector_load_idx %arg4[%add3A_79] : memref<16384xf32, #tpu.memory_space<vmem>>[vector<16xi32>], vector<16xf32>,
      %gather3A_92 = tpu.vector_load_idx %arg4[%add3A_91] : memref<16384xf32, #tpu.memory_space<vmem>>[vector<16xi32>], vector<16xf32>,
      %swap3A = arith.constant 0 : index
      %swap3A_93 = tpu.vector_load %arg4[%swap3A] {strides = array<i32>} : memref<16384xf32, #tpu.memory_space<vmem>>, vector<16xf32>,
      tpu.vector_store %arg4[%swap3A], %gather3A {strides = array<i32>} : memref<16384xf32, #tpu.memory_space<vmem>>, vector<16xf32>,
      %swap3A_94 = arith.constant 992 : index
      %swap3A_95 = tpu.vector_load %arg4[%swap3A_94] {strides = array<i32>} : memref<16384xf32, #tpu.memory_space<vmem>>, vector<16xf32>,
      tpu.vector_store %arg4[%swap3A_94], %gather3A_92 {strides = array<i32>} : memref<16384xf32, #tpu.memory_space<vmem>>, vector<16xf32>,
      %eq3A_96 = arith.constant 5 : i32
      %eq3A_97 = vector.broadcast %eq3A_96 : i32 to vector<16xi32>
      %eq3A_98 = arith.cmpi eq, %iota3A, %eq3A_97 : vector<16xi32>
      %jit3A_99 = arith.constant 1000 : i32
      %broadcast_in_dim3A_100 = vector.broadcast %jit3A_99 : i32 to vector<16xi32>
      %select_n3A_101 = arith.select %eq3A_98, %broadcast_in_dim3A_100, %iota3A : vector<16xi1>, vector<16xi32>
      %add3A_102 = arith.constant 4096 : i32
      %add3A_103 = vector.broadcast %add3A_102 : i32 to vector<16xi32>
      %add3A_104 = arith.addi %select_n3A_101, %add3A_103 : vector<16xi32>
      %add3A_105 = arith.constant 992 : i32
      %add3A_106 = vector.broadcast %add3A_105 : i32 to vector<16xi32>
      %add3A_107 = arith.addi %iota3A, %add3A_106 : vector<16xi32>
      %eq3A_108 = arith.constant 1000 : i32
      %eq3A_109 = vector.broadcast %eq3A_108 : i32 to vector<16xi32>
      %eq3A_110 = arith.cmpi eq, %add3A_107, %eq3A_109 : vector<16xi32>
      %jit3A_111 = arith.constant -987 : i32
      %broadcast_in_dim3A_112 = vector.broadcast %jit3A_111 : i32 to vector<16xi32>
      %select_n3A_113 = arith.select %eq3A_110, %broadcast_in_dim3A_112, %iota3A : vector<16xi1>, vector<16xi32>
      %add3A_114 = arith.constant 5088 : i32
      %add3A_115 = vector.broadcast %add3A_114 : i32 to vector<16xi32>
      %add3A_116 = arith.addi %select_n3A_113, %add3A_115 : vector<16xi32>
      %gather3A_117 = tpu.vector_load_idx %arg4[%add3A_104] : memref<16384xf32, #tpu.memory_space<vmem>>[vector<16xi32>], vector<16xf32>,
      %gather3A_118 = tpu.vector_load_idx %arg4[%add3A_116] : memref<16384xf32, #tpu.memory_space<vmem>>[vector<16xi32>], vector<16xf32>,
      %swap3A_119 = arith.constant 4096 : index
      %swap3A_120 = tpu.vector_load %arg4[%swap3A_119] {strides = array<i32>} : memref<16384xf32, #tpu.memory_space<vmem>>, vector<16xf32>,
      tpu.vector_store %arg4[%swap3A_119], %gather3A_117 {strides = array<i32>} : memref<16384xf32, #tpu.memory_space<vmem>>, vector<16xf32>,
      %swap3A_121 = arith.constant 5088 : index
      %swap3A_122 = tpu.vector_load %arg4[%swap3A_121] {strides = array<i32>} : memref<16384xf32, #tpu.memory_space<vmem>>, vector<16xf32>,
      tpu.vector_store %arg4[%swap3A_121], %gather3A_118 {strides = array<i32>} : memref<16384xf32, #tpu.memory_space<vmem>>, vector<16xf32>,
      %eq3A_123 = arith.constant 5 : i32
      %eq3A_124 = vector.broadcast %eq3A_123 : i32 to vector<16xi32>
      %eq3A_125 = arith.cmpi eq, %iota3A, %eq3A_124 : vector<16xi32>
      %jit3A_126 = arith.constant 1000 : i32
      %broadcast_in_dim3A_127 = vector.broadcast %jit3A_126 : i32 to vector<16xi32>
      %select_n3A_128 = arith.select %eq3A_125, %broadcast_in_dim3A_127, %iota3A : vector<16xi1>, vector<16xi32>
      %add3A_129 = arith.constant 8192 : i32
      %add3A_130 = vector.broadcast %add3A_129 : i32 to vector<16xi32>
      %add3A_131 = arith.addi %select_n3A_128, %add3A_130 : vector<16xi32>
      %add3A_132 = arith.constant 992 : i32
      %add3A_133 = vector.broadcast %add3A_132 : i32 to vector<16xi32>
      %add3A_134 = arith.addi %iota3A, %add3A_133 : vector<16xi32>
      %eq3A_135 = arith.constant 1000 : i32
      %eq3A_136 = vector.broadcast %eq3A_135 : i32 to vector<16xi32>
      %eq3A_137 = arith.cmpi eq, %add3A_134, %eq3A_136 : vector<16xi32>
      %jit3A_138 = arith.constant -987 : i32
      %broadcast_in_dim3A_139 = vector.broadcast %jit3A_138 : i32 to vector<16xi32>
      %select_n3A_140 = arith.select %eq3A_137, %broadcast_in_dim3A_139, %iota3A : vector<16xi1>, vector<16xi32>
      %add3A_141 = arith.constant 9184 : i32
      %add3A_142 = vector.broadcast %add3A_141 : i32 to vector<16xi32>
      %add3A_143 = arith.addi %select_n3A_140, %add3A_142 : vector<16xi32>
      %gather3A_144 = tpu.vector_load_idx %arg4[%add3A_131] : memref<16384xf32, #tpu.memory_space<vmem>>[vector<16xi32>], vector<16xf32>,
      %gather3A_145 = tpu.vector_load_idx %arg4[%add3A_143] : memref<16384xf32, #tpu.memory_space<vmem>>[vector<16xi32>], vector<16xf32>,
      %swap3A_146 = arith.constant 8192 : index
      %swap3A_147 = tpu.vector_load %arg4[%swap3A_146] {strides = array<i32>} : memref<16384xf32, #tpu.memory_space<vmem>>, vector<16xf32>,
      tpu.vector_store %arg4[%swap3A_146], %gather3A_144 {strides = array<i32>} : memref<16384xf32, #tpu.memory_space<vmem>>, vector<16xf32>,
      %swap3A_148 = arith.constant 9184 : index
      %swap3A_149 = tpu.vector_load %arg4[%swap3A_148] {strides = array<i32>} : memref<16384xf32, #tpu.memory_space<vmem>>, vector<16xf32>,
      tpu.vector_store %arg4[%swap3A_148], %gather3A_145 {strides = array<i32>} : memref<16384xf32, #tpu.memory_space<vmem>>, vector<16xf32>,
      %eq3A_150 = arith.constant 5 : i32
      %eq3A_151 = vector.broadcast %eq3A_150 : i32 to vector<16xi32>
      %eq3A_152 = arith.cmpi eq, %iota3A, %eq3A_151 : vector<16xi32>
      %jit3A_153 = arith.constant 1000 : i32
      %broadcast_in_dim3A_154 = vector.broadcast %jit3A_153 : i32 to vector<16xi32>
      %select_n3A_155 = arith.select %eq3A_152, %broadcast_in_dim3A_154, %iota3A : vector<16xi1>, vector<16xi32>
      %add3A_156 = arith.constant 12288 : i32
      %add3A_157 = vector.broadcast %add3A_156 : i32 to vector<16xi32>
      %add3A_158 = arith.addi %select_n3A_155, %add3A_157 : vector<16xi32>
      %add3A_159 = arith.constant 992 : i32
      %add3A_160 = vector.broadcast %add3A_159 : i32 to vector<16xi32>
      %add3A_161 = arith.addi %iota3A, %add3A_160 : vector<16xi32>
      %eq3A_162 = arith.constant 1000 : i32
      %eq3A_163 = vector.broadcast %eq3A_162 : i32 to vector<16xi32>
      %eq3A_164 = arith.cmpi eq, %add3A_161, %eq3A_163 : vector<16xi32>
      %jit3A_165 = arith.constant -987 : i32
      %broadcast_in_dim3A_166 = vector.broadcast %jit3A_165 : i32 to vector<16xi32>
      %select_n3A_167 = arith.select %eq3A_164, %broadcast_in_dim3A_166, %iota3A : vector<16xi1>, vector<16xi32>
      %add3A_168 = arith.constant 13280 : i32
      %add3A_169 = vector.broadcast %add3A_168 : i32 to vector<16xi32>
      %add3A_170 = arith.addi %select_n3A_167, %add3A_169 : vector<16xi32>
      %gather3A_171 = tpu.vector_load_idx %arg4[%add3A_158] : memref<16384xf32, #tpu.memory_space<vmem>>[vector<16xi32>], vector<16xf32>,
      %gather3A_172 = tpu.vector_load_idx %arg4[%add3A_170] : memref<16384xf32, #tpu.memory_space<vmem>>[vector<16xi32>], vector<16xf32>,
      %swap3A_173 = arith.constant 12288 : index
      %swap3A_174 = tpu.vector_load %arg4[%swap3A_173] {strides = array<i32>} : memref<16384xf32, #tpu.memory_space<vmem>>, vector<16xf32>,
      tpu.vector_store %arg4[%swap3A_173], %gather3A_171 {strides = array<i32>} : memref<16384xf32, #tpu.memory_space<vmem>>, vector<16xf32>,
      %swap3A_175 = arith.constant 13280 : index
      %swap3A_176 = tpu.vector_load %arg4[%swap3A_175] {strides = array<i32>} : memref<16384xf32, #tpu.memory_space<vmem>>, vector<16xf32>,
      tpu.vector_store %arg4[%swap3A_175], %gather3A_172 {strides = array<i32>} : memref<16384xf32, #tpu.memory_space<vmem>>, vector<16xf32>,
      %add3A_177 = arith.constant 0 : i32
      %add3A_178 = arith.addi %add3A_67, %add3A_177 : i32
      %mul3A_179 = arith.constant 16384 : i32
      %mul3A_180 = arith.muli %add3A_178, %mul3A_179 : i32
      %add3A_181 = arith.addi %mul3A_4, %mul3A_180 : i32
      %dma_start3A_182 = arith.constant 0 : i32
      %dma_start3A_183 = tpu.memref_slice %arg3[%add3A_181] : memref<33554432xf32, #tpu.memory_space<hbm>> -> memref<16384xf32, #tpu.memory_space<hbm>>
      %dma_start3A_184 = tpu.memref_slice %arg9[%dma_start3A_182] : memref<4x!tpu.dma_semaphore, #tpu.memory_space<semaphore_mem>> -> memref<1x!tpu.dma_semaphore, #tpu.memory_space<semaphore_mem>>
      %dma_start3A_185 = tpu.memref_squeeze %dma_start3A_184 : memref<1x!tpu.dma_semaphore, #tpu.memory_space<semaphore_mem>> -> memref<!tpu.dma_semaphore, #tpu.memory_space<semaphore_mem>>
      %dma_start3A_186 = tpu.memref_slice %arg3[%add3A_181] : memref<33554432xf32, #tpu.memory_space<hbm>> -> memref<16384xf32, #tpu.memory_space<hbm>>
      tpu.enqueue_dma source(%arg4 : memref<16384xf32, #tpu.memory_space<vmem>>) target(%dma_start3A_186 : memref<16384xf32, #tpu.memory_space<hbm>>) target_semaphore(%dma_start3A_185 : memref<!tpu.dma_semaphore, #tpu.memory_space<semaphore_mem>>)
      %add3A_187 = arith.constant 0 : i32
      %add3A_188 = arith.addi %add3A_67, %add3A_187 : i32
      %add3A_189 = arith.constant 4 : i32
      %add3A_190 = arith.addi %add3A_188, %add3A_189 : i32
      %lt3A = arith.constant 64 : i32
      %lt3A_191 = arith.cmpi slt, %add3A_190, %lt3A : i32
      %convert_element_type3A = arith.extui %lt3A_191 : i1 to i32
      %cond3A = arith.constant 0 : i32
      %cond3A_192 = arith.cmpi ne, %convert_element_type3A, %cond3A : i32
      scf.if %cond3A_192 {
        %dma_wait3A_595 = arith.constant 0 : i32
        %dma_wait3A_596 = arith.constant 0 : i32
        %dma_wait3A_597 = tpu.memref_slice %arg3[%dma_wait3A_596] : memref<33554432xf32, #tpu.memory_space<hbm>> -> memref<16384xf32, #tpu.memory_space<hbm>>
        %dma_wait3A_598 = tpu.memref_slice %arg9[%dma_wait3A_595] : memref<4x!tpu.dma_semaphore, #tpu.memory_space<semaphore_mem>> -> memref<1x!tpu.dma_semaphore, #tpu.memory_space<semaphore_mem>>
        %dma_wait3A_599 = tpu.memref_squeeze %dma_wait3A_598 : memref<1x!tpu.dma_semaphore, #tpu.memory_space<semaphore_mem>> -> memref<!tpu.dma_semaphore, #tpu.memory_space<semaphore_mem>>
        %dma_wait3A_600 = arith.constant 0 : i32
        %dma_wait3A_601 = tpu.memref_slice %arg3[%dma_wait3A_600] : memref<33554432xf32, #tpu.memory_space<hbm>> -> memref<16384xf32, #tpu.memory_space<hbm>>
        tpu.wait_dma2 semaphore(%dma_wait3A_599 : memref<!tpu.dma_semaphore, #tpu.memory_space<semaphore_mem>>) src(%arg4 : memref<16384xf32, #tpu.memory_space<vmem>>) dst(%dma_wait3A_601 : memref<16384xf32, #tpu.memory_space<hbm>>)
        %add3A_602 = arith.constant 0 : i32
        %add3A_603 = arith.addi %add3A_67, %add3A_602 : i32
        %add3A_604 = arith.constant 4 : i32
        %add3A_605 = arith.addi %add3A_603, %add3A_604 : i32
        %mul3A_606 = arith.constant 16384 : i32
        %mul3A_607 = arith.muli %add3A_605, %mul3A_606 : i32
        %add3A_608 = arith.addi %mul3A_4, %mul3A_607 : i32
        %dma_start3A_609 = arith.constant 0 : i32
        %dma_start3A_610 = tpu.memref_slice %arg2[%add3A_608] : memref<33554432xf32, #tpu.memory_space<hbm>> -> memref<16384xf32, #tpu.memory_space<hbm>>
        %dma_start3A_611 = tpu.memref_slice %arg8[%dma_start3A_609] : memref<4x!tpu.dma_semaphore, #tpu.memory_space<semaphore_mem>> -> memref<1x!tpu.dma_semaphore, #tpu.memory_space<semaphore_mem>>
        %dma_start3A_612 = tpu.memref_squeeze %dma_start3A_611 : memref<1x!tpu.dma_semaphore, #tpu.memory_space<semaphore_mem>> -> memref<!tpu.dma_semaphore, #tpu.memory_space<semaphore_mem>>
        %dma_start3A_613 = tpu.memref_slice %arg2[%add3A_608] : memref<33554432xf32, #tpu.memory_space<hbm>> -> memref<16384xf32, #tpu.memory_space<hbm>>
        tpu.enqueue_dma source(%dma_start3A_613 : memref<16384xf32, #tpu.memory_space<hbm>>) target(%arg4 : memref<16384xf32, #tpu.memory_space<vmem>>) target_semaphore(%dma_start3A_612 : memref<!tpu.dma_semaphore, #tpu.memory_space<semaphore_mem>>)
      } else {
      }
      %dma_wait3A_193 = arith.constant 1 : i32
      %dma_wait3A_194 = arith.constant 0 : i32
      %dma_wait3A_195 = tpu.memref_slice %arg2[%dma_wait3A_194] : memref<33554432xf32, #tpu.memory_space<hbm>> -> memref<16384xf32, #tpu.memory_space<hbm>>
      %dma_wait3A_196 = tpu.memref_slice %arg8[%dma_wait3A_193] : memref<4x!tpu.dma_semaphore, #tpu.memory_space<semaphore_mem>> -> memref<1x!tpu.dma_semaphore, #tpu.memory_space<semaphore_mem>>
      %dma_wait3A_197 = tpu.memref_squeeze %dma_wait3A_196 : memref<1x!tpu.dma_semaphore, #tpu.memory_space<semaphore_mem>> -> memref<!tpu.dma_semaphore, #tpu.memory_space<semaphore_mem>>
      %dma_wait3A_198 = arith.constant 0 : i32
      %dma_wait3A_199 = tpu.memref_slice %arg2[%dma_wait3A_198] : memref<33554432xf32, #tpu.memory_space<hbm>> -> memref<16384xf32, #tpu.memory_space<hbm>>
      tpu.wait_dma2 semaphore(%dma_wait3A_197 : memref<!tpu.dma_semaphore, #tpu.memory_space<semaphore_mem>>) src(%dma_wait3A_199 : memref<16384xf32, #tpu.memory_space<hbm>>) dst(%arg5 : memref<16384xf32, #tpu.memory_space<vmem>>)
      %eq3A_200 = arith.constant 5 : i32
      %eq3A_201 = vector.broadcast %eq3A_200 : i32 to vector<16xi32>
      %eq3A_202 = arith.cmpi eq, %iota3A, %eq3A_201 : vector<16xi32>
      %jit3A_203 = arith.constant 1000 : i32
      %broadcast_in_dim3A_204 = vector.broadcast %jit3A_203 : i32 to vector<16xi32>
      %select_n3A_205 = arith.select %eq3A_202, %broadcast_in_dim3A_204, %iota3A : vector<16xi1>, vector<16xi32>
      %add3A_206 = arith.constant 0 : i32
      %add3A_207 = vector.broadcast %add3A_206 : i32 to vector<16xi32>
      %add3A_208 = arith.addi %select_n3A_205, %add3A_207 : vector<16xi32>
      %add3A_209 = arith.constant 992 : i32
      %add3A_210 = vector.broadcast %add3A_209 : i32 to vector<16xi32>
      %add3A_211 = arith.addi %iota3A, %add3A_210 : vector<16xi32>
      %eq3A_212 = arith.constant 1000 : i32
      %eq3A_213 = vector.broadcast %eq3A_212 : i32 to vector<16xi32>
      %eq3A_214 = arith.cmpi eq, %add3A_211, %eq3A_213 : vector<16xi32>
      %jit3A_215 = arith.constant -987 : i32
      %broadcast_in_dim3A_216 = vector.broadcast %jit3A_215 : i32 to vector<16xi32>
      %select_n3A_217 = arith.select %eq3A_214, %broadcast_in_dim3A_216, %iota3A : vector<16xi1>, vector<16xi32>
      %add3A_218 = arith.constant 992 : i32
      %add3A_219 = vector.broadcast %add3A_218 : i32 to vector<16xi32>
      %add3A_220 = arith.addi %select_n3A_217, %add3A_219 : vector<16xi32>
      %gather3A_221 = tpu.vector_load_idx %arg5[%add3A_208] : memref<16384xf32, #tpu.memory_space<vmem>>[vector<16xi32>], vector<16xf32>,
      %gather3A_222 = tpu.vector_load_idx %arg5[%add3A_220] : memref<16384xf32, #tpu.memory_space<vmem>>[vector<16xi32>], vector<16xf32>,
      %swap3A_223 = arith.constant 0 : index
      %swap3A_224 = tpu.vector_load %arg5[%swap3A_223] {strides = array<i32>} : memref<16384xf32, #tpu.memory_space<vmem>>, vector<16xf32>,
      tpu.vector_store %arg5[%swap3A_223], %gather3A_221 {strides = array<i32>} : memref<16384xf32, #tpu.memory_space<vmem>>, vector<16xf32>,
      %swap3A_225 = arith.constant 992 : index
      %swap3A_226 = tpu.vector_load %arg5[%swap3A_225] {strides = array<i32>} : memref<16384xf32, #tpu.memory_space<vmem>>, vector<16xf32>,
      tpu.vector_store %arg5[%swap3A_225], %gather3A_222 {strides = array<i32>} : memref<16384xf32, #tpu.memory_space<vmem>>, vector<16xf32>,
      %eq3A_227 = arith.constant 5 : i32
      %eq3A_228 = vector.broadcast %eq3A_227 : i32 to vector<16xi32>
      %eq3A_229 = arith.cmpi eq, %iota3A, %eq3A_228 : vector<16xi32>
      %jit3A_230 = arith.constant 1000 : i32
      %broadcast_in_dim3A_231 = vector.broadcast %jit3A_230 : i32 to vector<16xi32>
      %select_n3A_232 = arith.select %eq3A_229, %broadcast_in_dim3A_231, %iota3A : vector<16xi1>, vector<16xi32>
      %add3A_233 = arith.constant 4096 : i32
      %add3A_234 = vector.broadcast %add3A_233 : i32 to vector<16xi32>
      %add3A_235 = arith.addi %select_n3A_232, %add3A_234 : vector<16xi32>
      %add3A_236 = arith.constant 992 : i32
      %add3A_237 = vector.broadcast %add3A_236 : i32 to vector<16xi32>
      %add3A_238 = arith.addi %iota3A, %add3A_237 : vector<16xi32>
      %eq3A_239 = arith.constant 1000 : i32
      %eq3A_240 = vector.broadcast %eq3A_239 : i32 to vector<16xi32>
      %eq3A_241 = arith.cmpi eq, %add3A_238, %eq3A_240 : vector<16xi32>
      %jit3A_242 = arith.constant -987 : i32
      %broadcast_in_dim3A_243 = vector.broadcast %jit3A_242 : i32 to vector<16xi32>
      %select_n3A_244 = arith.select %eq3A_241, %broadcast_in_dim3A_243, %iota3A : vector<16xi1>, vector<16xi32>
      %add3A_245 = arith.constant 5088 : i32
      %add3A_246 = vector.broadcast %add3A_245 : i32 to vector<16xi32>
      %add3A_247 = arith.addi %select_n3A_244, %add3A_246 : vector<16xi32>
      %gather3A_248 = tpu.vector_load_idx %arg5[%add3A_235] : memref<16384xf32, #tpu.memory_space<vmem>>[vector<16xi32>], vector<16xf32>,
      %gather3A_249 = tpu.vector_load_idx %arg5[%add3A_247] : memref<16384xf32, #tpu.memory_space<vmem>>[vector<16xi32>], vector<16xf32>,
      %swap3A_250 = arith.constant 4096 : index
      %swap3A_251 = tpu.vector_load %arg5[%swap3A_250] {strides = array<i32>} : memref<16384xf32, #tpu.memory_space<vmem>>, vector<16xf32>,
      tpu.vector_store %arg5[%swap3A_250], %gather3A_248 {strides = array<i32>} : memref<16384xf32, #tpu.memory_space<vmem>>, vector<16xf32>,
      %swap3A_252 = arith.constant 5088 : index
      %swap3A_253 = tpu.vector_load %arg5[%swap3A_252] {strides = array<i32>} : memref<16384xf32, #tpu.memory_space<vmem>>, vector<16xf32>,
      tpu.vector_store %arg5[%swap3A_252], %gather3A_249 {strides = array<i32>} : memref<16384xf32, #tpu.memory_space<vmem>>, vector<16xf32>,
      %eq3A_254 = arith.constant 5 : i32
      %eq3A_255 = vector.broadcast %eq3A_254 : i32 to vector<16xi32>
      %eq3A_256 = arith.cmpi eq, %iota3A, %eq3A_255 : vector<16xi32>
      %jit3A_257 = arith.constant 1000 : i32
      %broadcast_in_dim3A_258 = vector.broadcast %jit3A_257 : i32 to vector<16xi32>
      %select_n3A_259 = arith.select %eq3A_256, %broadcast_in_dim3A_258, %iota3A : vector<16xi1>, vector<16xi32>
      %add3A_260 = arith.constant 8192 : i32
      %add3A_261 = vector.broadcast %add3A_260 : i32 to vector<16xi32>
      %add3A_262 = arith.addi %select_n3A_259, %add3A_261 : vector<16xi32>
      %add3A_263 = arith.constant 992 : i32
      %add3A_264 = vector.broadcast %add3A_263 : i32 to vector<16xi32>
      %add3A_265 = arith.addi %iota3A, %add3A_264 : vector<16xi32>
      %eq3A_266 = arith.constant 1000 : i32
      %eq3A_267 = vector.broadcast %eq3A_266 : i32 to vector<16xi32>
      %eq3A_268 = arith.cmpi eq, %add3A_265, %eq3A_267 : vector<16xi32>
      %jit3A_269 = arith.constant -987 : i32
      %broadcast_in_dim3A_270 = vector.broadcast %jit3A_269 : i32 to vector<16xi32>
      %select_n3A_271 = arith.select %eq3A_268, %broadcast_in_dim3A_270, %iota3A : vector<16xi1>, vector<16xi32>
      %add3A_272 = arith.constant 9184 : i32
      %add3A_273 = vector.broadcast %add3A_272 : i32 to vector<16xi32>
      %add3A_274 = arith.addi %select_n3A_271, %add3A_273 : vector<16xi32>
      %gather3A_275 = tpu.vector_load_idx %arg5[%add3A_262] : memref<16384xf32, #tpu.memory_space<vmem>>[vector<16xi32>], vector<16xf32>,
      %gather3A_276 = tpu.vector_load_idx %arg5[%add3A_274] : memref<16384xf32, #tpu.memory_space<vmem>>[vector<16xi32>], vector<16xf32>,
      %swap3A_277 = arith.constant 8192 : index
      %swap3A_278 = tpu.vector_load %arg5[%swap3A_277] {strides = array<i32>} : memref<16384xf32, #tpu.memory_space<vmem>>, vector<16xf32>,
      tpu.vector_store %arg5[%swap3A_277], %gather3A_275 {strides = array<i32>} : memref<16384xf32, #tpu.memory_space<vmem>>, vector<16xf32>,
      %swap3A_279 = arith.constant 9184 : index
      %swap3A_280 = tpu.vector_load %arg5[%swap3A_279] {strides = array<i32>} : memref<16384xf32, #tpu.memory_space<vmem>>, vector<16xf32>,
      tpu.vector_store %arg5[%swap3A_279], %gather3A_276 {strides = array<i32>} : memref<16384xf32, #tpu.memory_space<vmem>>, vector<16xf32>,
      %eq3A_281 = arith.constant 5 : i32
      %eq3A_282 = vector.broadcast %eq3A_281 : i32 to vector<16xi32>
      %eq3A_283 = arith.cmpi eq, %iota3A, %eq3A_282 : vector<16xi32>
      %jit3A_284 = arith.constant 1000 : i32
      %broadcast_in_dim3A_285 = vector.broadcast %jit3A_284 : i32 to vector<16xi32>
      %select_n3A_286 = arith.select %eq3A_283, %broadcast_in_dim3A_285, %iota3A : vector<16xi1>, vector<16xi32>
      %add3A_287 = arith.constant 12288 : i32
      %add3A_288 = vector.broadcast %add3A_287 : i32 to vector<16xi32>
      %add3A_289 = arith.addi %select_n3A_286, %add3A_288 : vector<16xi32>
      %add3A_290 = arith.constant 992 : i32
      %add3A_291 = vector.broadcast %add3A_290 : i32 to vector<16xi32>
      %add3A_292 = arith.addi %iota3A, %add3A_291 : vector<16xi32>
      %eq3A_293 = arith.constant 1000 : i32
      %eq3A_294 = vector.broadcast %eq3A_293 : i32 to vector<16xi32>
      %eq3A_295 = arith.cmpi eq, %add3A_292, %eq3A_294 : vector<16xi32>
      %jit3A_296 = arith.constant -987 : i32
      %broadcast_in_dim3A_297 = vector.broadcast %jit3A_296 : i32 to vector<16xi32>
      %select_n3A_298 = arith.select %eq3A_295, %broadcast_in_dim3A_297, %iota3A : vector<16xi1>, vector<16xi32>
      %add3A_299 = arith.constant 13280 : i32
      %add3A_300 = vector.broadcast %add3A_299 : i32 to vector<16xi32>
      %add3A_301 = arith.addi %select_n3A_298, %add3A_300 : vector<16xi32>
      %gather3A_302 = tpu.vector_load_idx %arg5[%add3A_289] : memref<16384xf32, #tpu.memory_space<vmem>>[vector<16xi32>], vector<16xf32>,
      %gather3A_303 = tpu.vector_load_idx %arg5[%add3A_301] : memref<16384xf32, #tpu.memory_space<vmem>>[vector<16xi32>], vector<16xf32>,
      %swap3A_304 = arith.constant 12288 : index
      %swap3A_305 = tpu.vector_load %arg5[%swap3A_304] {strides = array<i32>} : memref<16384xf32, #tpu.memory_space<vmem>>, vector<16xf32>,
      tpu.vector_store %arg5[%swap3A_304], %gather3A_302 {strides = array<i32>} : memref<16384xf32, #tpu.memory_space<vmem>>, vector<16xf32>,
      %swap3A_306 = arith.constant 13280 : index
      %swap3A_307 = tpu.vector_load %arg5[%swap3A_306] {strides = array<i32>} : memref<16384xf32, #tpu.memory_space<vmem>>, vector<16xf32>,
      tpu.vector_store %arg5[%swap3A_306], %gather3A_303 {strides = array<i32>} : memref<16384xf32, #tpu.memory_space<vmem>>, vector<16xf32>,
      %add3A_308 = arith.constant 1 : i32
      %add3A_309 = arith.addi %add3A_67, %add3A_308 : i32
      %mul3A_310 = arith.constant 16384 : i32
      %mul3A_311 = arith.muli %add3A_309, %mul3A_310 : i32
      %add3A_312 = arith.addi %mul3A_4, %mul3A_311 : i32
      %dma_start3A_313 = arith.constant 1 : i32
      %dma_start3A_314 = tpu.memref_slice %arg3[%add3A_312] : memref<33554432xf32, #tpu.memory_space<hbm>> -> memref<16384xf32, #tpu.memory_space<hbm>>
      %dma_start3A_315 = tpu.memref_slice %arg9[%dma_start3A_313] : memref<4x!tpu.dma_semaphore, #tpu.memory_space<semaphore_mem>> -> memref<1x!tpu.dma_semaphore, #tpu.memory_space<semaphore_mem>>
      %dma_start3A_316 = tpu.memref_squeeze %dma_start3A_315 : memref<1x!tpu.dma_semaphore, #tpu.memory_space<semaphore_mem>> -> memref<!tpu.dma_semaphore, #tpu.memory_space<semaphore_mem>>
      %dma_start3A_317 = tpu.memref_slice %arg3[%add3A_312] : memref<33554432xf32, #tpu.memory_space<hbm>> -> memref<16384xf32, #tpu.memory_space<hbm>>
      tpu.enqueue_dma source(%arg5 : memref<16384xf32, #tpu.memory_space<vmem>>) target(%dma_start3A_317 : memref<16384xf32, #tpu.memory_space<hbm>>) target_semaphore(%dma_start3A_316 : memref<!tpu.dma_semaphore, #tpu.memory_space<semaphore_mem>>)
      %add3A_318 = arith.constant 1 : i32
      %add3A_319 = arith.addi %add3A_67, %add3A_318 : i32
      %add3A_320 = arith.constant 4 : i32
      %add3A_321 = arith.addi %add3A_319, %add3A_320 : i32
      %lt3A_322 = arith.constant 64 : i32
      %lt3A_323 = arith.cmpi slt, %add3A_321, %lt3A_322 : i32
      %convert_element_type3A_324 = arith.extui %lt3A_323 : i1 to i32
      %cond3A_325 = arith.constant 0 : i32
      %cond3A_326 = arith.cmpi ne, %convert_element_type3A_324, %cond3A_325 : i32
      scf.if %cond3A_326 {
        %dma_wait3A_595 = arith.constant 1 : i32
        %dma_wait3A_596 = arith.constant 0 : i32
        %dma_wait3A_597 = tpu.memref_slice %arg3[%dma_wait3A_596] : memref<33554432xf32, #tpu.memory_space<hbm>> -> memref<16384xf32, #tpu.memory_space<hbm>>
        %dma_wait3A_598 = tpu.memref_slice %arg9[%dma_wait3A_595] : memref<4x!tpu.dma_semaphore, #tpu.memory_space<semaphore_mem>> -> memref<1x!tpu.dma_semaphore, #tpu.memory_space<semaphore_mem>>
        %dma_wait3A_599 = tpu.memref_squeeze %dma_wait3A_598 : memref<1x!tpu.dma_semaphore, #tpu.memory_space<semaphore_mem>> -> memref<!tpu.dma_semaphore, #tpu.memory_space<semaphore_mem>>
        %dma_wait3A_600 = arith.constant 0 : i32
        %dma_wait3A_601 = tpu.memref_slice %arg3[%dma_wait3A_600] : memref<33554432xf32, #tpu.memory_space<hbm>> -> memref<16384xf32, #tpu.memory_space<hbm>>
        tpu.wait_dma2 semaphore(%dma_wait3A_599 : memref<!tpu.dma_semaphore, #tpu.memory_space<semaphore_mem>>) src(%arg5 : memref<16384xf32, #tpu.memory_space<vmem>>) dst(%dma_wait3A_601 : memref<16384xf32, #tpu.memory_space<hbm>>)
        %add3A_602 = arith.constant 1 : i32
        %add3A_603 = arith.addi %add3A_67, %add3A_602 : i32
        %add3A_604 = arith.constant 4 : i32
        %add3A_605 = arith.addi %add3A_603, %add3A_604 : i32
        %mul3A_606 = arith.constant 16384 : i32
        %mul3A_607 = arith.muli %add3A_605, %mul3A_606 : i32
        %add3A_608 = arith.addi %mul3A_4, %mul3A_607 : i32
        %dma_start3A_609 = arith.constant 1 : i32
        %dma_start3A_610 = tpu.memref_slice %arg2[%add3A_608] : memref<33554432xf32, #tpu.memory_space<hbm>> -> memref<16384xf32, #tpu.memory_space<hbm>>
        %dma_start3A_611 = tpu.memref_slice %arg8[%dma_start3A_609] : memref<4x!tpu.dma_semaphore, #tpu.memory_space<semaphore_mem>> -> memref<1x!tpu.dma_semaphore, #tpu.memory_space<semaphore_mem>>
        %dma_start3A_612 = tpu.memref_squeeze %dma_start3A_611 : memref<1x!tpu.dma_semaphore, #tpu.memory_space<semaphore_mem>> -> memref<!tpu.dma_semaphore, #tpu.memory_space<semaphore_mem>>
        %dma_start3A_613 = tpu.memref_slice %arg2[%add3A_608] : memref<33554432xf32, #tpu.memory_space<hbm>> -> memref<16384xf32, #tpu.memory_space<hbm>>
        tpu.enqueue_dma source(%dma_start3A_613 : memref<16384xf32, #tpu.memory_space<hbm>>) target(%arg5 : memref<16384xf32, #tpu.memory_space<vmem>>) target_semaphore(%dma_start3A_612 : memref<!tpu.dma_semaphore, #tpu.memory_space<semaphore_mem>>)
      } else {
      }
      %dma_wait3A_327 = arith.constant 2 : i32
      %dma_wait3A_328 = arith.constant 0 : i32
      %dma_wait3A_329 = tpu.memref_slice %arg2[%dma_wait3A_328] : memref<33554432xf32, #tpu.memory_space<hbm>> -> memref<16384xf32, #tpu.memory_space<hbm>>
      %dma_wait3A_330 = tpu.memref_slice %arg8[%dma_wait3A_327] : memref<4x!tpu.dma_semaphore, #tpu.memory_space<semaphore_mem>> -> memref<1x!tpu.dma_semaphore, #tpu.memory_space<semaphore_mem>>
      %dma_wait3A_331 = tpu.memref_squeeze %dma_wait3A_330 : memref<1x!tpu.dma_semaphore, #tpu.memory_space<semaphore_mem>> -> memref<!tpu.dma_semaphore, #tpu.memory_space<semaphore_mem>>
      %dma_wait3A_332 = arith.constant 0 : i32
      %dma_wait3A_333 = tpu.memref_slice %arg2[%dma_wait3A_332] : memref<33554432xf32, #tpu.memory_space<hbm>> -> memref<16384xf32, #tpu.memory_space<hbm>>
      tpu.wait_dma2 semaphore(%dma_wait3A_331 : memref<!tpu.dma_semaphore, #tpu.memory_space<semaphore_mem>>) src(%dma_wait3A_333 : memref<16384xf32, #tpu.memory_space<hbm>>) dst(%arg6 : memref<16384xf32, #tpu.memory_space<vmem>>)
      %eq3A_334 = arith.constant 5 : i32
      %eq3A_335 = vector.broadcast %eq3A_334 : i32 to vector<16xi32>
      %eq3A_336 = arith.cmpi eq, %iota3A, %eq3A_335 : vector<16xi32>
      %jit3A_337 = arith.constant 1000 : i32
      %broadcast_in_dim3A_338 = vector.broadcast %jit3A_337 : i32 to vector<16xi32>
      %select_n3A_339 = arith.select %eq3A_336, %broadcast_in_dim3A_338, %iota3A : vector<16xi1>, vector<16xi32>
      %add3A_340 = arith.constant 0 : i32
      %add3A_341 = vector.broadcast %add3A_340 : i32 to vector<16xi32>
      %add3A_342 = arith.addi %select_n3A_339, %add3A_341 : vector<16xi32>
      %add3A_343 = arith.constant 992 : i32
      %add3A_344 = vector.broadcast %add3A_343 : i32 to vector<16xi32>
      %add3A_345 = arith.addi %iota3A, %add3A_344 : vector<16xi32>
      %eq3A_346 = arith.constant 1000 : i32
      %eq3A_347 = vector.broadcast %eq3A_346 : i32 to vector<16xi32>
      %eq3A_348 = arith.cmpi eq, %add3A_345, %eq3A_347 : vector<16xi32>
      %jit3A_349 = arith.constant -987 : i32
      %broadcast_in_dim3A_350 = vector.broadcast %jit3A_349 : i32 to vector<16xi32>
      %select_n3A_351 = arith.select %eq3A_348, %broadcast_in_dim3A_350, %iota3A : vector<16xi1>, vector<16xi32>
      %add3A_352 = arith.constant 992 : i32
      %add3A_353 = vector.broadcast %add3A_352 : i32 to vector<16xi32>
      %add3A_354 = arith.addi %select_n3A_351, %add3A_353 : vector<16xi32>
      %gather3A_355 = tpu.vector_load_idx %arg6[%add3A_342] : memref<16384xf32, #tpu.memory_space<vmem>>[vector<16xi32>], vector<16xf32>,
      %gather3A_356 = tpu.vector_load_idx %arg6[%add3A_354] : memref<16384xf32, #tpu.memory_space<vmem>>[vector<16xi32>], vector<16xf32>,
      %swap3A_357 = arith.constant 0 : index
      %swap3A_358 = tpu.vector_load %arg6[%swap3A_357] {strides = array<i32>} : memref<16384xf32, #tpu.memory_space<vmem>>, vector<16xf32>,
      tpu.vector_store %arg6[%swap3A_357], %gather3A_355 {strides = array<i32>} : memref<16384xf32, #tpu.memory_space<vmem>>, vector<16xf32>,
      %swap3A_359 = arith.constant 992 : index
      %swap3A_360 = tpu.vector_load %arg6[%swap3A_359] {strides = array<i32>} : memref<16384xf32, #tpu.memory_space<vmem>>, vector<16xf32>,
      tpu.vector_store %arg6[%swap3A_359], %gather3A_356 {strides = array<i32>} : memref<16384xf32, #tpu.memory_space<vmem>>, vector<16xf32>,
      %eq3A_361 = arith.constant 5 : i32
      %eq3A_362 = vector.broadcast %eq3A_361 : i32 to vector<16xi32>
      %eq3A_363 = arith.cmpi eq, %iota3A, %eq3A_362 : vector<16xi32>
      %jit3A_364 = arith.constant 1000 : i32
      %broadcast_in_dim3A_365 = vector.broadcast %jit3A_364 : i32 to vector<16xi32>
      %select_n3A_366 = arith.select %eq3A_363, %broadcast_in_dim3A_365, %iota3A : vector<16xi1>, vector<16xi32>
      %add3A_367 = arith.constant 4096 : i32
      %add3A_368 = vector.broadcast %add3A_367 : i32 to vector<16xi32>
      %add3A_369 = arith.addi %select_n3A_366, %add3A_368 : vector<16xi32>
      %add3A_370 = arith.constant 992 : i32
      %add3A_371 = vector.broadcast %add3A_370 : i32 to vector<16xi32>
      %add3A_372 = arith.addi %iota3A, %add3A_371 : vector<16xi32>
      %eq3A_373 = arith.constant 1000 : i32
      %eq3A_374 = vector.broadcast %eq3A_373 : i32 to vector<16xi32>
      %eq3A_375 = arith.cmpi eq, %add3A_372, %eq3A_374 : vector<16xi32>
      %jit3A_376 = arith.constant -987 : i32
      %broadcast_in_dim3A_377 = vector.broadcast %jit3A_376 : i32 to vector<16xi32>
      %select_n3A_378 = arith.select %eq3A_375, %broadcast_in_dim3A_377, %iota3A : vector<16xi1>, vector<16xi32>
      %add3A_379 = arith.constant 5088 : i32
      %add3A_380 = vector.broadcast %add3A_379 : i32 to vector<16xi32>
      %add3A_381 = arith.addi %select_n3A_378, %add3A_380 : vector<16xi32>
      %gather3A_382 = tpu.vector_load_idx %arg6[%add3A_369] : memref<16384xf32, #tpu.memory_space<vmem>>[vector<16xi32>], vector<16xf32>,
      %gather3A_383 = tpu.vector_load_idx %arg6[%add3A_381] : memref<16384xf32, #tpu.memory_space<vmem>>[vector<16xi32>], vector<16xf32>,
      %swap3A_384 = arith.constant 4096 : index
      %swap3A_385 = tpu.vector_load %arg6[%swap3A_384] {strides = array<i32>} : memref<16384xf32, #tpu.memory_space<vmem>>, vector<16xf32>,
      tpu.vector_store %arg6[%swap3A_384], %gather3A_382 {strides = array<i32>} : memref<16384xf32, #tpu.memory_space<vmem>>, vector<16xf32>,
      %swap3A_386 = arith.constant 5088 : index
      %swap3A_387 = tpu.vector_load %arg6[%swap3A_386] {strides = array<i32>} : memref<16384xf32, #tpu.memory_space<vmem>>, vector<16xf32>,
      tpu.vector_store %arg6[%swap3A_386], %gather3A_383 {strides = array<i32>} : memref<16384xf32, #tpu.memory_space<vmem>>, vector<16xf32>,
      %eq3A_388 = arith.constant 5 : i32
      %eq3A_389 = vector.broadcast %eq3A_388 : i32 to vector<16xi32>
      %eq3A_390 = arith.cmpi eq, %iota3A, %eq3A_389 : vector<16xi32>
      %jit3A_391 = arith.constant 1000 : i32
      %broadcast_in_dim3A_392 = vector.broadcast %jit3A_391 : i32 to vector<16xi32>
      %select_n3A_393 = arith.select %eq3A_390, %broadcast_in_dim3A_392, %iota3A : vector<16xi1>, vector<16xi32>
      %add3A_394 = arith.constant 8192 : i32
      %add3A_395 = vector.broadcast %add3A_394 : i32 to vector<16xi32>
      %add3A_396 = arith.addi %select_n3A_393, %add3A_395 : vector<16xi32>
      %add3A_397 = arith.constant 992 : i32
      %add3A_398 = vector.broadcast %add3A_397 : i32 to vector<16xi32>
      %add3A_399 = arith.addi %iota3A, %add3A_398 : vector<16xi32>
      %eq3A_400 = arith.constant 1000 : i32
      %eq3A_401 = vector.broadcast %eq3A_400 : i32 to vector<16xi32>
      %eq3A_402 = arith.cmpi eq, %add3A_399, %eq3A_401 : vector<16xi32>
      %jit3A_403 = arith.constant -987 : i32
      %broadcast_in_dim3A_404 = vector.broadcast %jit3A_403 : i32 to vector<16xi32>
      %select_n3A_405 = arith.select %eq3A_402, %broadcast_in_dim3A_404, %iota3A : vector<16xi1>, vector<16xi32>
      %add3A_406 = arith.constant 9184 : i32
      %add3A_407 = vector.broadcast %add3A_406 : i32 to vector<16xi32>
      %add3A_408 = arith.addi %select_n3A_405, %add3A_407 : vector<16xi32>
      %gather3A_409 = tpu.vector_load_idx %arg6[%add3A_396] : memref<16384xf32, #tpu.memory_space<vmem>>[vector<16xi32>], vector<16xf32>,
      %gather3A_410 = tpu.vector_load_idx %arg6[%add3A_408] : memref<16384xf32, #tpu.memory_space<vmem>>[vector<16xi32>], vector<16xf32>,
      %swap3A_411 = arith.constant 8192 : index
      %swap3A_412 = tpu.vector_load %arg6[%swap3A_411] {strides = array<i32>} : memref<16384xf32, #tpu.memory_space<vmem>>, vector<16xf32>,
      tpu.vector_store %arg6[%swap3A_411], %gather3A_409 {strides = array<i32>} : memref<16384xf32, #tpu.memory_space<vmem>>, vector<16xf32>,
      %swap3A_413 = arith.constant 9184 : index
      %swap3A_414 = tpu.vector_load %arg6[%swap3A_413] {strides = array<i32>} : memref<16384xf32, #tpu.memory_space<vmem>>, vector<16xf32>,
      tpu.vector_store %arg6[%swap3A_413], %gather3A_410 {strides = array<i32>} : memref<16384xf32, #tpu.memory_space<vmem>>, vector<16xf32>,
      %eq3A_415 = arith.constant 5 : i32
      %eq3A_416 = vector.broadcast %eq3A_415 : i32 to vector<16xi32>
      %eq3A_417 = arith.cmpi eq, %iota3A, %eq3A_416 : vector<16xi32>
      %jit3A_418 = arith.constant 1000 : i32
      %broadcast_in_dim3A_419 = vector.broadcast %jit3A_418 : i32 to vector<16xi32>
      %select_n3A_420 = arith.select %eq3A_417, %broadcast_in_dim3A_419, %iota3A : vector<16xi1>, vector<16xi32>
      %add3A_421 = arith.constant 12288 : i32
      %add3A_422 = vector.broadcast %add3A_421 : i32 to vector<16xi32>
      %add3A_423 = arith.addi %select_n3A_420, %add3A_422 : vector<16xi32>
      %add3A_424 = arith.constant 992 : i32
      %add3A_425 = vector.broadcast %add3A_424 : i32 to vector<16xi32>
      %add3A_426 = arith.addi %iota3A, %add3A_425 : vector<16xi32>
      %eq3A_427 = arith.constant 1000 : i32
      %eq3A_428 = vector.broadcast %eq3A_427 : i32 to vector<16xi32>
      %eq3A_429 = arith.cmpi eq, %add3A_426, %eq3A_428 : vector<16xi32>
      %jit3A_430 = arith.constant -987 : i32
      %broadcast_in_dim3A_431 = vector.broadcast %jit3A_430 : i32 to vector<16xi32>
      %select_n3A_432 = arith.select %eq3A_429, %broadcast_in_dim3A_431, %iota3A : vector<16xi1>, vector<16xi32>
      %add3A_433 = arith.constant 13280 : i32
      %add3A_434 = vector.broadcast %add3A_433 : i32 to vector<16xi32>
      %add3A_435 = arith.addi %select_n3A_432, %add3A_434 : vector<16xi32>
      %gather3A_436 = tpu.vector_load_idx %arg6[%add3A_423] : memref<16384xf32, #tpu.memory_space<vmem>>[vector<16xi32>], vector<16xf32>,
      %gather3A_437 = tpu.vector_load_idx %arg6[%add3A_435] : memref<16384xf32, #tpu.memory_space<vmem>>[vector<16xi32>], vector<16xf32>,
      %swap3A_438 = arith.constant 12288 : index
      %swap3A_439 = tpu.vector_load %arg6[%swap3A_438] {strides = array<i32>} : memref<16384xf32, #tpu.memory_space<vmem>>, vector<16xf32>,
      tpu.vector_store %arg6[%swap3A_438], %gather3A_436 {strides = array<i32>} : memref<16384xf32, #tpu.memory_space<vmem>>, vector<16xf32>,
      %swap3A_440 = arith.constant 13280 : index
      %swap3A_441 = tpu.vector_load %arg6[%swap3A_440] {strides = array<i32>} : memref<16384xf32, #tpu.memory_space<vmem>>, vector<16xf32>,
      tpu.vector_store %arg6[%swap3A_440], %gather3A_437 {strides = array<i32>} : memref<16384xf32, #tpu.memory_space<vmem>>, vector<16xf32>,
      %add3A_442 = arith.constant 2 : i32
      %add3A_443 = arith.addi %add3A_67, %add3A_442 : i32
      %mul3A_444 = arith.constant 16384 : i32
      %mul3A_445 = arith.muli %add3A_443, %mul3A_444 : i32
      %add3A_446 = arith.addi %mul3A_4, %mul3A_445 : i32
      %dma_start3A_447 = arith.constant 2 : i32
      %dma_start3A_448 = tpu.memref_slice %arg3[%add3A_446] : memref<33554432xf32, #tpu.memory_space<hbm>> -> memref<16384xf32, #tpu.memory_space<hbm>>
      %dma_start3A_449 = tpu.memref_slice %arg9[%dma_start3A_447] : memref<4x!tpu.dma_semaphore, #tpu.memory_space<semaphore_mem>> -> memref<1x!tpu.dma_semaphore, #tpu.memory_space<semaphore_mem>>
      %dma_start3A_450 = tpu.memref_squeeze %dma_start3A_449 : memref<1x!tpu.dma_semaphore, #tpu.memory_space<semaphore_mem>> -> memref<!tpu.dma_semaphore, #tpu.memory_space<semaphore_mem>>
      %dma_start3A_451 = tpu.memref_slice %arg3[%add3A_446] : memref<33554432xf32, #tpu.memory_space<hbm>> -> memref<16384xf32, #tpu.memory_space<hbm>>
      tpu.enqueue_dma source(%arg6 : memref<16384xf32, #tpu.memory_space<vmem>>) target(%dma_start3A_451 : memref<16384xf32, #tpu.memory_space<hbm>>) target_semaphore(%dma_start3A_450 : memref<!tpu.dma_semaphore, #tpu.memory_space<semaphore_mem>>)
      %add3A_452 = arith.constant 2 : i32
      %add3A_453 = arith.addi %add3A_67, %add3A_452 : i32
      %add3A_454 = arith.constant 4 : i32
      %add3A_455 = arith.addi %add3A_453, %add3A_454 : i32
      %lt3A_456 = arith.constant 64 : i32
      %lt3A_457 = arith.cmpi slt, %add3A_455, %lt3A_456 : i32
      %convert_element_type3A_458 = arith.extui %lt3A_457 : i1 to i32
      %cond3A_459 = arith.constant 0 : i32
      %cond3A_460 = arith.cmpi ne, %convert_element_type3A_458, %cond3A_459 : i32
      scf.if %cond3A_460 {
        %dma_wait3A_595 = arith.constant 2 : i32
        %dma_wait3A_596 = arith.constant 0 : i32
        %dma_wait3A_597 = tpu.memref_slice %arg3[%dma_wait3A_596] : memref<33554432xf32, #tpu.memory_space<hbm>> -> memref<16384xf32, #tpu.memory_space<hbm>>
        %dma_wait3A_598 = tpu.memref_slice %arg9[%dma_wait3A_595] : memref<4x!tpu.dma_semaphore, #tpu.memory_space<semaphore_mem>> -> memref<1x!tpu.dma_semaphore, #tpu.memory_space<semaphore_mem>>
        %dma_wait3A_599 = tpu.memref_squeeze %dma_wait3A_598 : memref<1x!tpu.dma_semaphore, #tpu.memory_space<semaphore_mem>> -> memref<!tpu.dma_semaphore, #tpu.memory_space<semaphore_mem>>
        %dma_wait3A_600 = arith.constant 0 : i32
        %dma_wait3A_601 = tpu.memref_slice %arg3[%dma_wait3A_600] : memref<33554432xf32, #tpu.memory_space<hbm>> -> memref<16384xf32, #tpu.memory_space<hbm>>
        tpu.wait_dma2 semaphore(%dma_wait3A_599 : memref<!tpu.dma_semaphore, #tpu.memory_space<semaphore_mem>>) src(%arg6 : memref<16384xf32, #tpu.memory_space<vmem>>) dst(%dma_wait3A_601 : memref<16384xf32, #tpu.memory_space<hbm>>)
        %add3A_602 = arith.constant 2 : i32
        %add3A_603 = arith.addi %add3A_67, %add3A_602 : i32
        %add3A_604 = arith.constant 4 : i32
        %add3A_605 = arith.addi %add3A_603, %add3A_604 : i32
        %mul3A_606 = arith.constant 16384 : i32
        %mul3A_607 = arith.muli %add3A_605, %mul3A_606 : i32
        %add3A_608 = arith.addi %mul3A_4, %mul3A_607 : i32
        %dma_start3A_609 = arith.constant 2 : i32
        %dma_start3A_610 = tpu.memref_slice %arg2[%add3A_608] : memref<33554432xf32, #tpu.memory_space<hbm>> -> memref<16384xf32, #tpu.memory_space<hbm>>
        %dma_start3A_611 = tpu.memref_slice %arg8[%dma_start3A_609] : memref<4x!tpu.dma_semaphore, #tpu.memory_space<semaphore_mem>> -> memref<1x!tpu.dma_semaphore, #tpu.memory_space<semaphore_mem>>
        %dma_start3A_612 = tpu.memref_squeeze %dma_start3A_611 : memref<1x!tpu.dma_semaphore, #tpu.memory_space<semaphore_mem>> -> memref<!tpu.dma_semaphore, #tpu.memory_space<semaphore_mem>>
        %dma_start3A_613 = tpu.memref_slice %arg2[%add3A_608] : memref<33554432xf32, #tpu.memory_space<hbm>> -> memref<16384xf32, #tpu.memory_space<hbm>>
        tpu.enqueue_dma source(%dma_start3A_613 : memref<16384xf32, #tpu.memory_space<hbm>>) target(%arg6 : memref<16384xf32, #tpu.memory_space<vmem>>) target_semaphore(%dma_start3A_612 : memref<!tpu.dma_semaphore, #tpu.memory_space<semaphore_mem>>)
      } else {
      }
      %dma_wait3A_461 = arith.constant 3 : i32
      %dma_wait3A_462 = arith.constant 0 : i32
      %dma_wait3A_463 = tpu.memref_slice %arg2[%dma_wait3A_462] : memref<33554432xf32, #tpu.memory_space<hbm>> -> memref<16384xf32, #tpu.memory_space<hbm>>
      %dma_wait3A_464 = tpu.memref_slice %arg8[%dma_wait3A_461] : memref<4x!tpu.dma_semaphore, #tpu.memory_space<semaphore_mem>> -> memref<1x!tpu.dma_semaphore, #tpu.memory_space<semaphore_mem>>
      %dma_wait3A_465 = tpu.memref_squeeze %dma_wait3A_464 : memref<1x!tpu.dma_semaphore, #tpu.memory_space<semaphore_mem>> -> memref<!tpu.dma_semaphore, #tpu.memory_space<semaphore_mem>>
      %dma_wait3A_466 = arith.constant 0 : i32
      %dma_wait3A_467 = tpu.memref_slice %arg2[%dma_wait3A_466] : memref<33554432xf32, #tpu.memory_space<hbm>> -> memref<16384xf32, #tpu.memory_space<hbm>>
      tpu.wait_dma2 semaphore(%dma_wait3A_465 : memref<!tpu.dma_semaphore, #tpu.memory_space<semaphore_mem>>) src(%dma_wait3A_467 : memref<16384xf32, #tpu.memory_space<hbm>>) dst(%arg7 : memref<16384xf32, #tpu.memory_space<vmem>>)
      %eq3A_468 = arith.constant 5 : i32
      %eq3A_469 = vector.broadcast %eq3A_468 : i32 to vector<16xi32>
      %eq3A_470 = arith.cmpi eq, %iota3A, %eq3A_469 : vector<16xi32>
      %jit3A_471 = arith.constant 1000 : i32
      %broadcast_in_dim3A_472 = vector.broadcast %jit3A_471 : i32 to vector<16xi32>
      %select_n3A_473 = arith.select %eq3A_470, %broadcast_in_dim3A_472, %iota3A : vector<16xi1>, vector<16xi32>
      %add3A_474 = arith.constant 0 : i32
      %add3A_475 = vector.broadcast %add3A_474 : i32 to vector<16xi32>
      %add3A_476 = arith.addi %select_n3A_473, %add3A_475 : vector<16xi32>
      %add3A_477 = arith.constant 992 : i32
      %add3A_478 = vector.broadcast %add3A_477 : i32 to vector<16xi32>
      %add3A_479 = arith.addi %iota3A, %add3A_478 : vector<16xi32>
      %eq3A_480 = arith.constant 1000 : i32
      %eq3A_481 = vector.broadcast %eq3A_480 : i32 to vector<16xi32>
      %eq3A_482 = arith.cmpi eq, %add3A_479, %eq3A_481 : vector<16xi32>
      %jit3A_483 = arith.constant -987 : i32
      %broadcast_in_dim3A_484 = vector.broadcast %jit3A_483 : i32 to vector<16xi32>
      %select_n3A_485 = arith.select %eq3A_482, %broadcast_in_dim3A_484, %iota3A : vector<16xi1>, vector<16xi32>
      %add3A_486 = arith.constant 992 : i32
      %add3A_487 = vector.broadcast %add3A_486 : i32 to vector<16xi32>
      %add3A_488 = arith.addi %select_n3A_485, %add3A_487 : vector<16xi32>
      %gather3A_489 = tpu.vector_load_idx %arg7[%add3A_476] : memref<16384xf32, #tpu.memory_space<vmem>>[vector<16xi32>], vector<16xf32>,
      %gather3A_490 = tpu.vector_load_idx %arg7[%add3A_488] : memref<16384xf32, #tpu.memory_space<vmem>>[vector<16xi32>], vector<16xf32>,
      %swap3A_491 = arith.constant 0 : index
      %swap3A_492 = tpu.vector_load %arg7[%swap3A_491] {strides = array<i32>} : memref<16384xf32, #tpu.memory_space<vmem>>, vector<16xf32>,
      tpu.vector_store %arg7[%swap3A_491], %gather3A_489 {strides = array<i32>} : memref<16384xf32, #tpu.memory_space<vmem>>, vector<16xf32>,
      %swap3A_493 = arith.constant 992 : index
      %swap3A_494 = tpu.vector_load %arg7[%swap3A_493] {strides = array<i32>} : memref<16384xf32, #tpu.memory_space<vmem>>, vector<16xf32>,
      tpu.vector_store %arg7[%swap3A_493], %gather3A_490 {strides = array<i32>} : memref<16384xf32, #tpu.memory_space<vmem>>, vector<16xf32>,
      %eq3A_495 = arith.constant 5 : i32
      %eq3A_496 = vector.broadcast %eq3A_495 : i32 to vector<16xi32>
      %eq3A_497 = arith.cmpi eq, %iota3A, %eq3A_496 : vector<16xi32>
      %jit3A_498 = arith.constant 1000 : i32
      %broadcast_in_dim3A_499 = vector.broadcast %jit3A_498 : i32 to vector<16xi32>
      %select_n3A_500 = arith.select %eq3A_497, %broadcast_in_dim3A_499, %iota3A : vector<16xi1>, vector<16xi32>
      %add3A_501 = arith.constant 4096 : i32
      %add3A_502 = vector.broadcast %add3A_501 : i32 to vector<16xi32>
      %add3A_503 = arith.addi %select_n3A_500, %add3A_502 : vector<16xi32>
      %add3A_504 = arith.constant 992 : i32
      %add3A_505 = vector.broadcast %add3A_504 : i32 to vector<16xi32>
      %add3A_506 = arith.addi %iota3A, %add3A_505 : vector<16xi32>
      %eq3A_507 = arith.constant 1000 : i32
      %eq3A_508 = vector.broadcast %eq3A_507 : i32 to vector<16xi32>
      %eq3A_509 = arith.cmpi eq, %add3A_506, %eq3A_508 : vector<16xi32>
      %jit3A_510 = arith.constant -987 : i32
      %broadcast_in_dim3A_511 = vector.broadcast %jit3A_510 : i32 to vector<16xi32>
      %select_n3A_512 = arith.select %eq3A_509, %broadcast_in_dim3A_511, %iota3A : vector<16xi1>, vector<16xi32>
      %add3A_513 = arith.constant 5088 : i32
      %add3A_514 = vector.broadcast %add3A_513 : i32 to vector<16xi32>
      %add3A_515 = arith.addi %select_n3A_512, %add3A_514 : vector<16xi32>
      %gather3A_516 = tpu.vector_load_idx %arg7[%add3A_503] : memref<16384xf32, #tpu.memory_space<vmem>>[vector<16xi32>], vector<16xf32>,
      %gather3A_517 = tpu.vector_load_idx %arg7[%add3A_515] : memref<16384xf32, #tpu.memory_space<vmem>>[vector<16xi32>], vector<16xf32>,
      %swap3A_518 = arith.constant 4096 : index
      %swap3A_519 = tpu.vector_load %arg7[%swap3A_518] {strides = array<i32>} : memref<16384xf32, #tpu.memory_space<vmem>>, vector<16xf32>,
      tpu.vector_store %arg7[%swap3A_518], %gather3A_516 {strides = array<i32>} : memref<16384xf32, #tpu.memory_space<vmem>>, vector<16xf32>,
      %swap3A_520 = arith.constant 5088 : index
      %swap3A_521 = tpu.vector_load %arg7[%swap3A_520] {strides = array<i32>} : memref<16384xf32, #tpu.memory_space<vmem>>, vector<16xf32>,
      tpu.vector_store %arg7[%swap3A_520], %gather3A_517 {strides = array<i32>} : memref<16384xf32, #tpu.memory_space<vmem>>, vector<16xf32>,
      %eq3A_522 = arith.constant 5 : i32
      %eq3A_523 = vector.broadcast %eq3A_522 : i32 to vector<16xi32>
      %eq3A_524 = arith.cmpi eq, %iota3A, %eq3A_523 : vector<16xi32>
      %jit3A_525 = arith.constant 1000 : i32
      %broadcast_in_dim3A_526 = vector.broadcast %jit3A_525 : i32 to vector<16xi32>
      %select_n3A_527 = arith.select %eq3A_524, %broadcast_in_dim3A_526, %iota3A : vector<16xi1>, vector<16xi32>
      %add3A_528 = arith.constant 8192 : i32
      %add3A_529 = vector.broadcast %add3A_528 : i32 to vector<16xi32>
      %add3A_530 = arith.addi %select_n3A_527, %add3A_529 : vector<16xi32>
      %add3A_531 = arith.constant 992 : i32
      %add3A_532 = vector.broadcast %add3A_531 : i32 to vector<16xi32>
      %add3A_533 = arith.addi %iota3A, %add3A_532 : vector<16xi32>
      %eq3A_534 = arith.constant 1000 : i32
      %eq3A_535 = vector.broadcast %eq3A_534 : i32 to vector<16xi32>
      %eq3A_536 = arith.cmpi eq, %add3A_533, %eq3A_535 : vector<16xi32>
      %jit3A_537 = arith.constant -987 : i32
      %broadcast_in_dim3A_538 = vector.broadcast %jit3A_537 : i32 to vector<16xi32>
      %select_n3A_539 = arith.select %eq3A_536, %broadcast_in_dim3A_538, %iota3A : vector<16xi1>, vector<16xi32>
      %add3A_540 = arith.constant 9184 : i32
      %add3A_541 = vector.broadcast %add3A_540 : i32 to vector<16xi32>
      %add3A_542 = arith.addi %select_n3A_539, %add3A_541 : vector<16xi32>
      %gather3A_543 = tpu.vector_load_idx %arg7[%add3A_530] : memref<16384xf32, #tpu.memory_space<vmem>>[vector<16xi32>], vector<16xf32>,
      %gather3A_544 = tpu.vector_load_idx %arg7[%add3A_542] : memref<16384xf32, #tpu.memory_space<vmem>>[vector<16xi32>], vector<16xf32>,
      %swap3A_545 = arith.constant 8192 : index
      %swap3A_546 = tpu.vector_load %arg7[%swap3A_545] {strides = array<i32>} : memref<16384xf32, #tpu.memory_space<vmem>>, vector<16xf32>,
      tpu.vector_store %arg7[%swap3A_545], %gather3A_543 {strides = array<i32>} : memref<16384xf32, #tpu.memory_space<vmem>>, vector<16xf32>,
      %swap3A_547 = arith.constant 9184 : index
      %swap3A_548 = tpu.vector_load %arg7[%swap3A_547] {strides = array<i32>} : memref<16384xf32, #tpu.memory_space<vmem>>, vector<16xf32>,
      tpu.vector_store %arg7[%swap3A_547], %gather3A_544 {strides = array<i32>} : memref<16384xf32, #tpu.memory_space<vmem>>, vector<16xf32>,
      %eq3A_549 = arith.constant 5 : i32
      %eq3A_550 = vector.broadcast %eq3A_549 : i32 to vector<16xi32>
      %eq3A_551 = arith.cmpi eq, %iota3A, %eq3A_550 : vector<16xi32>
      %jit3A_552 = arith.constant 1000 : i32
      %broadcast_in_dim3A_553 = vector.broadcast %jit3A_552 : i32 to vector<16xi32>
      %select_n3A_554 = arith.select %eq3A_551, %broadcast_in_dim3A_553, %iota3A : vector<16xi1>, vector<16xi32>
      %add3A_555 = arith.constant 12288 : i32
      %add3A_556 = vector.broadcast %add3A_555 : i32 to vector<16xi32>
      %add3A_557 = arith.addi %select_n3A_554, %add3A_556 : vector<16xi32>
      %add3A_558 = arith.constant 992 : i32
      %add3A_559 = vector.broadcast %add3A_558 : i32 to vector<16xi32>
      %add3A_560 = arith.addi %iota3A, %add3A_559 : vector<16xi32>
      %eq3A_561 = arith.constant 1000 : i32
      %eq3A_562 = vector.broadcast %eq3A_561 : i32 to vector<16xi32>
      %eq3A_563 = arith.cmpi eq, %add3A_560, %eq3A_562 : vector<16xi32>
      %jit3A_564 = arith.constant -987 : i32
      %broadcast_in_dim3A_565 = vector.broadcast %jit3A_564 : i32 to vector<16xi32>
      %select_n3A_566 = arith.select %eq3A_563, %broadcast_in_dim3A_565, %iota3A : vector<16xi1>, vector<16xi32>
      %add3A_567 = arith.constant 13280 : i32
      %add3A_568 = vector.broadcast %add3A_567 : i32 to vector<16xi32>
      %add3A_569 = arith.addi %select_n3A_566, %add3A_568 : vector<16xi32>
      %gather3A_570 = tpu.vector_load_idx %arg7[%add3A_557] : memref<16384xf32, #tpu.memory_space<vmem>>[vector<16xi32>], vector<16xf32>,
      %gather3A_571 = tpu.vector_load_idx %arg7[%add3A_569] : memref<16384xf32, #tpu.memory_space<vmem>>[vector<16xi32>], vector<16xf32>,
      %swap3A_572 = arith.constant 12288 : index
      %swap3A_573 = tpu.vector_load %arg7[%swap3A_572] {strides = array<i32>} : memref<16384xf32, #tpu.memory_space<vmem>>, vector<16xf32>,
      tpu.vector_store %arg7[%swap3A_572], %gather3A_570 {strides = array<i32>} : memref<16384xf32, #tpu.memory_space<vmem>>, vector<16xf32>,
      %swap3A_574 = arith.constant 13280 : index
      %swap3A_575 = tpu.vector_load %arg7[%swap3A_574] {strides = array<i32>} : memref<16384xf32, #tpu.memory_space<vmem>>, vector<16xf32>,
      tpu.vector_store %arg7[%swap3A_574], %gather3A_571 {strides = array<i32>} : memref<16384xf32, #tpu.memory_space<vmem>>, vector<16xf32>,
      %add3A_576 = arith.constant 3 : i32
      %add3A_577 = arith.addi %add3A_67, %add3A_576 : i32
      %mul3A_578 = arith.constant 16384 : i32
      %mul3A_579 = arith.muli %add3A_577, %mul3A_578 : i32
      %add3A_580 = arith.addi %mul3A_4, %mul3A_579 : i32
      %dma_start3A_581 = arith.constant 3 : i32
      %dma_start3A_582 = tpu.memref_slice %arg3[%add3A_580] : memref<33554432xf32, #tpu.memory_space<hbm>> -> memref<16384xf32, #tpu.memory_space<hbm>>
      %dma_start3A_583 = tpu.memref_slice %arg9[%dma_start3A_581] : memref<4x!tpu.dma_semaphore, #tpu.memory_space<semaphore_mem>> -> memref<1x!tpu.dma_semaphore, #tpu.memory_space<semaphore_mem>>
      %dma_start3A_584 = tpu.memref_squeeze %dma_start3A_583 : memref<1x!tpu.dma_semaphore, #tpu.memory_space<semaphore_mem>> -> memref<!tpu.dma_semaphore, #tpu.memory_space<semaphore_mem>>
      %dma_start3A_585 = tpu.memref_slice %arg3[%add3A_580] : memref<33554432xf32, #tpu.memory_space<hbm>> -> memref<16384xf32, #tpu.memory_space<hbm>>
      tpu.enqueue_dma source(%arg7 : memref<16384xf32, #tpu.memory_space<vmem>>) target(%dma_start3A_585 : memref<16384xf32, #tpu.memory_space<hbm>>) target_semaphore(%dma_start3A_584 : memref<!tpu.dma_semaphore, #tpu.memory_space<semaphore_mem>>)
      %add3A_586 = arith.constant 3 : i32
      %add3A_587 = arith.addi %add3A_67, %add3A_586 : i32
      %add3A_588 = arith.constant 4 : i32
      %add3A_589 = arith.addi %add3A_587, %add3A_588 : i32
      %lt3A_590 = arith.constant 64 : i32
      %lt3A_591 = arith.cmpi slt, %add3A_589, %lt3A_590 : i32
      %convert_element_type3A_592 = arith.extui %lt3A_591 : i1 to i32
      %cond3A_593 = arith.constant 0 : i32
      %cond3A_594 = arith.cmpi ne, %convert_element_type3A_592, %cond3A_593 : i32
      scf.if %cond3A_594 {
        %dma_wait3A_595 = arith.constant 3 : i32
        %dma_wait3A_596 = arith.constant 0 : i32
        %dma_wait3A_597 = tpu.memref_slice %arg3[%dma_wait3A_596] : memref<33554432xf32, #tpu.memory_space<hbm>> -> memref<16384xf32, #tpu.memory_space<hbm>>
        %dma_wait3A_598 = tpu.memref_slice %arg9[%dma_wait3A_595] : memref<4x!tpu.dma_semaphore, #tpu.memory_space<semaphore_mem>> -> memref<1x!tpu.dma_semaphore, #tpu.memory_space<semaphore_mem>>
        %dma_wait3A_599 = tpu.memref_squeeze %dma_wait3A_598 : memref<1x!tpu.dma_semaphore, #tpu.memory_space<semaphore_mem>> -> memref<!tpu.dma_semaphore, #tpu.memory_space<semaphore_mem>>
        %dma_wait3A_600 = arith.constant 0 : i32
        %dma_wait3A_601 = tpu.memref_slice %arg3[%dma_wait3A_600] : memref<33554432xf32, #tpu.memory_space<hbm>> -> memref<16384xf32, #tpu.memory_space<hbm>>
        tpu.wait_dma2 semaphore(%dma_wait3A_599 : memref<!tpu.dma_semaphore, #tpu.memory_space<semaphore_mem>>) src(%arg7 : memref<16384xf32, #tpu.memory_space<vmem>>) dst(%dma_wait3A_601 : memref<16384xf32, #tpu.memory_space<hbm>>)
        %add3A_602 = arith.constant 3 : i32
        %add3A_603 = arith.addi %add3A_67, %add3A_602 : i32
        %add3A_604 = arith.constant 4 : i32
        %add3A_605 = arith.addi %add3A_603, %add3A_604 : i32
        %mul3A_606 = arith.constant 16384 : i32
        %mul3A_607 = arith.muli %add3A_605, %mul3A_606 : i32
        %add3A_608 = arith.addi %mul3A_4, %mul3A_607 : i32
        %dma_start3A_609 = arith.constant 3 : i32
        %dma_start3A_610 = tpu.memref_slice %arg2[%add3A_608] : memref<33554432xf32, #tpu.memory_space<hbm>> -> memref<16384xf32, #tpu.memory_space<hbm>>
        %dma_start3A_611 = tpu.memref_slice %arg8[%dma_start3A_609] : memref<4x!tpu.dma_semaphore, #tpu.memory_space<semaphore_mem>> -> memref<1x!tpu.dma_semaphore, #tpu.memory_space<semaphore_mem>>
        %dma_start3A_612 = tpu.memref_squeeze %dma_start3A_611 : memref<1x!tpu.dma_semaphore, #tpu.memory_space<semaphore_mem>> -> memref<!tpu.dma_semaphore, #tpu.memory_space<semaphore_mem>>
        %dma_start3A_613 = tpu.memref_slice %arg2[%add3A_608] : memref<33554432xf32, #tpu.memory_space<hbm>> -> memref<16384xf32, #tpu.memory_space<hbm>>
        tpu.enqueue_dma source(%dma_start3A_613 : memref<16384xf32, #tpu.memory_space<hbm>>) target(%arg7 : memref<16384xf32, #tpu.memory_space<vmem>>) target_semaphore(%dma_start3A_612 : memref<!tpu.dma_semaphore, #tpu.memory_space<semaphore_mem>>)
      } else {
      }
    }
    %scan3A_35 = arith.constant 16 : i32
    %dma_wait3A = arith.constant 0 : i32
    %dma_wait3A_36 = arith.constant 0 : i32
    %dma_wait3A_37 = tpu.memref_slice %arg3[%dma_wait3A_36] : memref<33554432xf32, #tpu.memory_space<hbm>> -> memref<16384xf32, #tpu.memory_space<hbm>>
    %dma_wait3A_38 = tpu.memref_slice %arg9[%dma_wait3A] : memref<4x!tpu.dma_semaphore, #tpu.memory_space<semaphore_mem>> -> memref<1x!tpu.dma_semaphore, #tpu.memory_space<semaphore_mem>>
    %dma_wait3A_39 = tpu.memref_squeeze %dma_wait3A_38 : memref<1x!tpu.dma_semaphore, #tpu.memory_space<semaphore_mem>> -> memref<!tpu.dma_semaphore, #tpu.memory_space<semaphore_mem>>
    %dma_wait3A_40 = arith.constant 0 : i32
    %dma_wait3A_41 = tpu.memref_slice %arg3[%dma_wait3A_40] : memref<33554432xf32, #tpu.memory_space<hbm>> -> memref<16384xf32, #tpu.memory_space<hbm>>
    tpu.wait_dma2 semaphore(%dma_wait3A_39 : memref<!tpu.dma_semaphore, #tpu.memory_space<semaphore_mem>>) src(%arg4 : memref<16384xf32, #tpu.memory_space<vmem>>) dst(%dma_wait3A_41 : memref<16384xf32, #tpu.memory_space<hbm>>)
    %dma_wait3A_42 = arith.constant 1 : i32
    %dma_wait3A_43 = arith.constant 0 : i32
    %dma_wait3A_44 = tpu.memref_slice %arg3[%dma_wait3A_43] : memref<33554432xf32, #tpu.memory_space<hbm>> -> memref<16384xf32, #tpu.memory_space<hbm>>
    %dma_wait3A_45 = tpu.memref_slice %arg9[%dma_wait3A_42] : memref<4x!tpu.dma_semaphore, #tpu.memory_space<semaphore_mem>> -> memref<1x!tpu.dma_semaphore, #tpu.memory_space<semaphore_mem>>
    %dma_wait3A_46 = tpu.memref_squeeze %dma_wait3A_45 : memref<1x!tpu.dma_semaphore, #tpu.memory_space<semaphore_mem>> -> memref<!tpu.dma_semaphore, #tpu.memory_space<semaphore_mem>>
    %dma_wait3A_47 = arith.constant 0 : i32
    %dma_wait3A_48 = tpu.memref_slice %arg3[%dma_wait3A_47] : memref<33554432xf32, #tpu.memory_space<hbm>> -> memref<16384xf32, #tpu.memory_space<hbm>>
    tpu.wait_dma2 semaphore(%dma_wait3A_46 : memref<!tpu.dma_semaphore, #tpu.memory_space<semaphore_mem>>) src(%arg5 : memref<16384xf32, #tpu.memory_space<vmem>>) dst(%dma_wait3A_48 : memref<16384xf32, #tpu.memory_space<hbm>>)
    %dma_wait3A_49 = arith.constant 2 : i32
    %dma_wait3A_50 = arith.constant 0 : i32
    %dma_wait3A_51 = tpu.memref_slice %arg3[%dma_wait3A_50] : memref<33554432xf32, #tpu.memory_space<hbm>> -> memref<16384xf32, #tpu.memory_space<hbm>>
    %dma_wait3A_52 = tpu.memref_slice %arg9[%dma_wait3A_49] : memref<4x!tpu.dma_semaphore, #tpu.memory_space<semaphore_mem>> -> memref<1x!tpu.dma_semaphore, #tpu.memory_space<semaphore_mem>>
    %dma_wait3A_53 = tpu.memref_squeeze %dma_wait3A_52 : memref<1x!tpu.dma_semaphore, #tpu.memory_space<semaphore_mem>> -> memref<!tpu.dma_semaphore, #tpu.memory_space<semaphore_mem>>
    %dma_wait3A_54 = arith.constant 0 : i32
    %dma_wait3A_55 = tpu.memref_slice %arg3[%dma_wait3A_54] : memref<33554432xf32, #tpu.memory_space<hbm>> -> memref<16384xf32, #tpu.memory_space<hbm>>
    tpu.wait_dma2 semaphore(%dma_wait3A_53 : memref<!tpu.dma_semaphore, #tpu.memory_space<semaphore_mem>>) src(%arg6 : memref<16384xf32, #tpu.memory_space<vmem>>) dst(%dma_wait3A_55 : memref<16384xf32, #tpu.memory_space<hbm>>)
    %dma_wait3A_56 = arith.constant 3 : i32
    %dma_wait3A_57 = arith.constant 0 : i32
    %dma_wait3A_58 = tpu.memref_slice %arg3[%dma_wait3A_57] : memref<33554432xf32, #tpu.memory_space<hbm>> -> memref<16384xf32, #tpu.memory_space<hbm>>
    %dma_wait3A_59 = tpu.memref_slice %arg9[%dma_wait3A_56] : memref<4x!tpu.dma_semaphore, #tpu.memory_space<semaphore_mem>> -> memref<1x!tpu.dma_semaphore, #tpu.memory_space<semaphore_mem>>
    %dma_wait3A_60 = tpu.memref_squeeze %dma_wait3A_59 : memref<1x!tpu.dma_semaphore, #tpu.memory_space<semaphore_mem>> -> memref<!tpu.dma_semaphore, #tpu.memory_space<semaphore_mem>>
    %dma_wait3A_61 = arith.constant 0 : i32
    %dma_wait3A_62 = tpu.memref_slice %arg3[%dma_wait3A_61] : memref<33554432xf32, #tpu.memory_space<hbm>> -> memref<16384xf32, #tpu.memory_space<hbm>>
    tpu.wait_dma2 semaphore(%dma_wait3A_60 : memref<!tpu.dma_semaphore, #tpu.memory_space<semaphore_mem>>) src(%arg7 : memref<16384xf32, #tpu.memory_space<vmem>>) dst(%dma_wait3A_62 : memref<16384xf32, #tpu.memory_space<hbm>>)
    return
  }
}

</mosaic_0001>

<sc_bundles>
// kernel: kernel.3.cloned.1.call-start
scs
__scs_entry_jumppad:
0x0: {  	(pc) =	sbr.rel $0x88, $3  }
0x1: {  	(tag) =	ssettag $0x0;
	lr =	simm.s32 $0x1  }
0x2: {  	[smem:$0x3FA0] =	sst lr;
	_ =	strace $0xD0000000  }
0x3: {  	_ = 	snop  }
0x4: {  	_ = 	snop  }
0x5: {  	_ = 	snop  }
0x6: {  	_ = 	snop  }
0x7: {  	_ = 	snop  }
__scs_overlays_trampoline_lowered:
0x8: {  	[smem:$0x3FAF] =	sst s0  }
0x9: {  	[smem:$0x3FB0] =	sst s1  }
0xa: {  	[smem:$0x3FB1] =	sst s2  }
0xb: {  	[smem:$0x3FB2] =	sst s3  }
0xc: {  	[smem:$0x3FB3] =	sst s4  }
0xd: {  	[smem:$0x3FB4] =	sst s5  }
0xe: {  	[smem:$0x3FB5] =	sst s6  }
0xf: {  	[smem:$0x3FB6] =	sst s7  }
0x10: {  	[smem:$0x3FB7] =	sst s8  }
0x11: {  	[smem:$0x3FB8] =	sst s9;
	s0 =	simm.s32 @!p0 $0x0  }
0x12: {  	s1 =	sld [smem:$0x3F9E];
	s0 =	simm.s32 @p0 $0x1  }
0x13: {  	[smem:$0x3FB9] =	sst s0;
	s0 =	simm.s32 @!p1 $0x0  }
0x14: {  	s2 =	sld [smem:$0x3F9D];
	s0 =	simm.s32 @p1 $0x1  }
0x15: {  	[smem:$0x3FBA] =	sst s0;
	s0 =	simm.s32 @!p2 $0x0  }
0x16: {  	s3 =	sld [smem:$0x3FDB];
	s0 =	simm.s32 @p2 $0x1  }
0x17: {  	s4 =	simm.s32 $0x1BF5;
	[smem:$0x3FBC] =	sst s0  }
0x18: {  	s0 =	sld [smem:$0x3F9F];
	_ =	swait.ge [sflag:s4], $0x0  }
0x19: {  	s7 =	sld [smem:$0x3FA0]  }
0x1a: {  	s8 =	sadd.s32 $0xFFFFE003, lr  }
0x1b: {  	s9 =	sadd.s32 $0xFFFFFEF7, lr;
	s5 =	simm.s32 $0xFFFFFFFF;
	p2 =	slt.u32 s8, $0xFFFFF086  }
0x1c: {  	p1 =	slt.u32 s9, $0xF7A;
	s5 =	simm.s32 @!p2 $0x0  }
0x1d: {  	s5 =	simm.s32 @p1 $0x1;
	p0 =	seq.s32 s7, s2  }
0x1e: {  	s7 =	smul.u32 @!p0 $0xF7A, s2;
	p2 =	seq.s32 @!p0 s5, $0x0  }
0x1f: {  	s9 =	smul.u32 $0xF7A, s1;
	s8 =	simm.s32 @!p0 $0x1BF5;
	p2 =	por !p2, p0  }
0x20: {  	[sflag:s8] =	ssyncset.s32 @!p0 $0xFFFFF086;
	s6 =	sadd.s32 @!p0 s3, s7;
	s7 =	simm.s32 @!p0 $0x108  }
0x21: {  	s3 =	sadd.s32 s3, s9;
	s6 =	sadd.s32 @!p0 $0x88, s6;
	s7 =	simm.s32 @p2 $0x1082  }
0x22: {  	[simem:s7], [sflag:s8] =	dma.local @!p0 [hbm:s6], $0xF7A  }
0x23: {  	s9 =	sor.u32 $0xD0000000, s2;
	s6 =	simm.s32 $0x108;
	_ =	swait.ge @!p0 [sflag:s8], $0x0  }
0x24: {  	s3 =	sadd.s32 $0x88, s3;
	s6 =	simm.s32 @!p1 $0x1082;
	[sflag:s4] =	ssyncset.s32 $0xFFFFF086  }
0x25: {  	[simem:s6], [sflag:s4] =	dma.local [hbm:s3], $0xF7A  }
0x26: {  	[smem:$0x3FA0] =	sst s1;
	(tag) =	ssettag s2;
	_ =	strace s9  }
0x27: {  	s1 =	sld [smem:$0x3FB0]  }
0x28: {  	s2 =	sld [smem:$0x3FB1]  }
0x29: {  	s4 =	sld [smem:$0x3FB3]  }
0x2a: {  	p0 =	seq.s32 s5, $0x0;
	s5 =	sld [smem:$0x3FB4]  }
0x2b: {  	s6 =	sld [smem:$0x3FB5]  }
0x2c: {  	s7 =	sld [smem:$0x3FB6]  }
0x2d: {  	s3 =	simm.s32 $0x108;
	s8 =	sld [smem:$0x3FB7]  }
0x2e: {  	s3 =	simm.s32 @!p0 $0x1082;
	s9 =	sld [smem:$0x3FB8]  }
0x2f: {  	lr =	sadd.s32 s0, s3;
	s0 =	sld [smem:$0x3FAF]  }
0x30: {  	s3 =	sld [smem:$0x3FB2]  }
0x31: {  	[smem:$0x3FBB] =	sst s10  }
0x32: {  	s10 =	sld [smem:$0x3FB9];
	_ =	sdelay $0x3  }
0x33: {  	p0 =	seq.s32 s10, $0x1;
	s10 =	sld [smem:$0x3FBB];
	_ =	sdelay $0x3  }
0x34: {  	[smem:$0x3FBB] =	sst s10  }
0x35: {  	s10 =	sld [smem:$0x3FBA];
	_ =	sdelay $0x3  }
0x36: {  	p1 =	seq.s32 s10, $0x1;
	s10 =	sld [smem:$0x3FBB];
	_ =	sdelay $0x3  }
0x37: {  	[smem:$0x3FBB] =	sst s10  }
0x38: {  	s10 =	sld [smem:$0x3FBC]  }
0x39: {  	_ = 	snop;
	(pc) =	sbr.ind lr, $3  }
0x3a: {  	_ = 	snop  }
0x3b: {  	_ = 	snop  }
0x3c: {  	p2 =	seq.s32 s10, $0x1;
	s10 =	sld [smem:$0x3FBB]  }
0x3d: {  	_ =	shalt  }
0x3e: {  	_ =	shalt  }
0x3f: {  	_ =	shalt  }
0x40: {  	_ =	shalt  }
0x41: {  	_ =	shalt  }
0x42: {  	_ =	shalt  }
0x43: {  	_ =	shalt  }
0x44: {  	_ =	shalt  }
0x45: {  	_ =	shalt  }
0x46: {  	_ =	shalt  }
0x47: {  	_ =	shalt  }
0x48: {  	_ =	shalt  }
0x49: {  	_ =	shalt  }
0x4a: {  	_ =	shalt  }
0x4b: {  	_ =	shalt  }
0x4c: {  	_ =	shalt  }
0x4d: {  	_ =	shalt  }
0x4e: {  	_ =	shalt  }
0x4f: {  	_ =	shalt  }
0x50: {  	_ =	shalt  }
0x51: {  	_ =	shalt  }
0x52: {  	_ =	shalt  }
0x53: {  	_ =	shalt  }
0x54: {  	_ =	shalt  }
0x55: {  	_ =	shalt  }
0x56: {  	_ =	shalt  }
0x57: {  	_ =	shalt  }
0x58: {  	_ =	shalt  }
0x59: {  	_ =	shalt  }
0x5a: {  	_ =	shalt  }
0x5b: {  	_ =	shalt  }
0x5c: {  	_ =	shalt  }
0x5d: {  	_ =	shalt  }
0x5e: {  	_ =	shalt  }
0x5f: {  	_ =	shalt  }
0x60: {  	_ =	shalt  }
0x61: {  	_ =	shalt  }
0x62: {  	_ =	shalt  }
0x63: {  	_ =	shalt  }
0x64: {  	_ =	shalt  }
0x65: {  	_ =	shalt  }
0x66: {  	_ =	shalt  }
0x67: {  	_ =	shalt  }
0x68: {  	_ =	shalt  }
0x69: {  	_ =	shalt  }
0x6a: {  	_ =	shalt  }
0x6b: {  	_ =	shalt  }
0x6c: {  	_ =	shalt  }
0x6d: {  	_ =	shalt  }
0x6e: {  	_ =	shalt  }
0x6f: {  	_ =	shalt  }
0x70: {  	_ =	shalt  }
0x71: {  	_ =	shalt  }
0x72: {  	_ =	shalt  }
0x73: {  	_ =	shalt  }
0x74: {  	_ =	shalt  }
0x75: {  	_ =	shalt  }
0x76: {  	_ =	shalt  }
0x77: {  	_ =	shalt  }
0x78: {  	_ =	shalt  }
0x79: {  	_ =	shalt  }
0x7a: {  	_ =	shalt  }
0x7b: {  	_ =	shalt  }
0x7c: {  	_ =	shalt  }
0x7d: {  	_ =	shalt  }
0x7e: {  	_ =	shalt  }
0x7f: {  	_ =	shalt  }
0x80: {  	_ =	shalt  }
0x81: {  	_ =	shalt  }
0x82: {  	_ =	shalt  }
0x83: {  	_ =	shalt  }
0x84: {  	_ =	shalt  }
0x85: {  	_ =	shalt  }
0x86: {  	_ =	shalt  }
0x87: {  	_ =	shalt  }
.Lfunc_end0:
.L_simem_size_0:
called_computation.1_lowered:
.L_overlay_start_0:
0x88: {  	s2 =	sld [smem:$0x3FD9]  }
0x89: {  	s3 =	sld [smem:$0x3FFE];
	_ =	sdelay $0x1  }
0x8a: {  	s1 =	srdreg.scid  }
0x8b: {  	s0 =	sand.u32 $0x1, s1  }
0x8c: {  	s17 =	sshll.u32 s0, $0xA;
	s2 =	sadd.s32 s3, s2  }
0x8d: {  	s2 =	sadd.s32 s2, s17  }
0x8e: {  	[smem:$0x3FC7] =	sst s2  }
0x8f: {  	_ = 	snop  }
0x90: {  	s2 =	sld [smem:$0x3FD0];
	(tm) =	ssettm $0x1  }
0x91: {  	s18 =	sld [smem:$0x3FFB];
	_ =	sdelay $0x3  }
0x92: {  	_ =	strace s18  }
0x93: {  	s3 =	sld [smem:$0x3FFC];
	_ =	sdelay $0x3  }
0x94: {  	_ =	strace s3  }
0x95: {  	s3 =	sld [smem:$0x3FFD];
	_ =	sdelay $0x3  }
0x96: {  	_ =	strace s3  }
0x97: {  	_ =	strace $0x8FFFFFFF  }
0x98: {  	s19 =	sld [smem:$0x3FDB];
	_ =	sdelay $0x1  }
0x99: {  	s4 =	simm.s32 $_scs_section_size  }
0x9a: {  	s5 =	simm.s32 $_size__tile_overlayer_lowered;
	s6 =	simm.s32 $_tile_overlayer_lowered  }
0x9b: {  	s22 =	simm.s32 $0x1BFF;
	s21 =	sshll.u32 s6, $0x1;
	s3 =	sadd.s32 s4, s19  }
0x9c: {  	s7 =	simm.s32 $0x0;
	s20 =	sshll.u32 s5, $0x1;
	s5 =	sadd.s32 s21, s3  }
0x9d: {  	[timem:s7], [sflag:s22] =	dma.local [hbm:s5], s20  }
0x9e: {  	_ =	swait.ge [sflag:s22], s20  }
0x9f: {  	s4 =	ssub.s32 $0x0, s20;
	[sflag:s22] =	ssyncset.done $0x0  }
0xa0: {  	[sflag:s22] =	ssyncadd.s32 s4;
	_ =	sdelay $0x1  }
0xa1: {  	s23 =	simm.s32 $0x1B8B  }
0xa2: {  	_ =	swait.ge [sflag:s23], $0x1  }
0xa3: {  	[sflag:s23] =	ssyncset.done $0x0  }
0xa4: {  	s25 =	simm.s32 $0x1B8E;
	s24 =	sld [smem:$0x3FFE];
	[sflag:s23] =	ssyncadd.s32 $0xFFFFFFFF  }
0xa5: {  	s26 =	simm.s32 $execute0_lowered;
	[smem:$0x3FD2] =	sst s25  }
0xa6: {  	s5 =	sshll.u32 s26, $0x1;
	_ =	strace $0x80000049;
	[dreg:$0x1] =	wrdreg $0xFFFFFFFF  }
0xa7: {  	s28 =	simm.s32 $_size_execute0_lowered;
	s3 =	sadd.s32 s3, s5;
	[dreg:$0x0] =	wrdreg $0x0  }
0xa8: {  	s5 =	sshll.u32 s28, $0x1;
	[dreg:$0x2] =	wrdreg s3  }
0xa9: {  	[dreg:$0x3] =	wrdreg s5  }
0xaa: {  	[dreg:$0x4] =	wrdreg $0xC0  }
0xab: {  	_ =	task [dreg:s7], $0x5FFFF  }
0xac: {  	[dreg:$0x1] =	wrdreg $0xFFFFFFFF  }
0xad: {  	[dreg:$0x0] =	wrdreg $0x60  }
0xae: {  	[dreg:$0x2] =	wrdreg s2  }
0xaf: {  	[dreg:$0x3] =	wrdreg s24  }
0xb0: {  	[dreg:$0x4] =	wrdreg $0x9  }
0xb1: {  	_ =	task.clear_ibuf [dreg:s7], $0x5FFFF;
	_ =	strace $0x90000049  }
0xb2: {  	s29 =	simm.s32 $0x9;
	_ =	strace $0x8000004B  }
0xb3: {  	_ =	swait.ge [sflag:s29], $0x1  }
0xb4: {  	[sflag:s29] =	ssyncadd.s32 $0xFFFFFFFF  }
0xb5: {  	_ =	strace $0x9000004B  }
0xb6: {  	_ =	sfence  }
0xb7: {  	s30 =	sld [smem:$0x0];
	_ =	sdelay $0x2  }
0xb8: {  	s31 =	sshll.u32 s1, $0xD;
	s1 =	sshrl.u32 s1, $0x2  }
0xb9: {  	s3 =	sand.u32 $0x4000, s31;
	s1 =	sadd.s32 s1, s30  }
0xba: {  	s0 =	sor.u32 s3, s0;
	s1 =	sshll.u32 s1, $0x11  }
0xbb: {  	s0 =	sor.u32 s1, s0  }
0xbc: {  	s0 =	sadd.s32 $0x8F2B, s0  }
0xbd: {  	[sflag:s0] =	ssyncadd.remote.s32 $0x1  }
0xbe: {  	_ =	sfence.sel $0xFFFF  }
0xbf: {  	[dreg:$0x0] =	wrdreg $0xFFFFFFFF;
	(pc) =	sbr.abs _section_cstart, $3  }
0xc0: {  	[dreg:$0x1] =	wrdreg $0xFFFFFFFF  }
0xc1: {  	_ =	task.clear_ibuf [dreg:s7], $0x2FFFF;
	_ =	strace $0x9FFFFFFF  }
0xc2: {  	(tm) =	ssettm $0x7FFFFFFF  }
0xc3: {  	_ =	shalt  }
tec
execute0_lowered:
.L_overlay_start_1:
0x0: {  	(tag) =	ssettag $0x1  }
0x1: {  	v0 =	vimm.s32 $0x3EF;
	vm14 =	vcmask $0x300  }
0x2: {  	vm13 =	vcmask $0x704;
	v1 =	vimm.s32 $0x43210;
	vm12 =	vcmask $0xB08  }
0x3: {  	vm11 =	vcmask $0xF0C;
	vm10 =	vcmask $0x1310;
	vm9 =	vcmask $0x1714  }
0x4: {  	vm0 =	vcmask $0x1300;
	vm8 =	vcmask $0x1B18;
	v2 =	vimm.s32 $0x76DCBA98  }
0x5: {  	vm7 =	vcmask $0x1F1C;
	vm6 =	vcmask $0x2320;
	vm5 =	vcmask $0x2724  }
0x6: {  	vm4 =	vcmask $0x2B28;
	vm3 =	vcmask $0x2F2C;
	vm2 =	vcmask $0x3330  }
0x7: {  	vm15 =	vcmask $0x3718;
	vm1 =	vcmask $0x3734;
	v3 =	vimm.s32 $0x13EF  }
0x8: {  	v4 =	vimm.s32 $0x200F;
	v5 =	vimm.s32 $0x23EF;
	v6 =	vimm.s32 $0x300F  }
0x9: {  	v7 =	vimm.s32 $0x33EF;
	v0 =	vsel vm14, $0x3E0, v0;
	v1 =	vunpack.c.l.s4.s8 v1  }
0xa: {  	v2 =	vunpack.c.l.s4.s8 v2;
	v3 =	vsel vm14, $0x13E0, v3;
	v4 =	vsel vm14, $0x2000, v4  }
0xb: {  	v5 =	vsel vm14, $0x23E0, v5;
	v6 =	vsel vm14, $0x3000, v6;
	v7 =	vsel vm14, $0x33E0, v7  }
0xc: {  	v0 =	vsel vm13, $0x3E1, v0;
	v3 =	vsel vm13, $0x13E1, v3;
	v4 =	vsel vm13, $0x2001, v4  }
0xd: {  	v5 =	vsel vm13, $0x23E1, v5;
	v6 =	vsel vm13, $0x3001, v6;
	v7 =	vsel vm13, $0x33E1, v7  }
0xe: {  	v0 =	vsel vm12, $0x3E2, v0;
	v1 =	vunpack.c.0.s8.s32 v1;
	v2 =	vunpack.c.0.s8.s32 v2  }
0xf: {  	v3 =	vsel vm12, $0x13E2, v3;
	v4 =	vsel vm12, $0x2002, v4;
	v5 =	vsel vm12, $0x23E2, v5  }
0x10: {  	v6 =	vsel vm12, $0x3002, v6;
	v7 =	vsel vm12, $0x33E2, v7;
	v0 =	vsel vm11, $0x3E3, v0  }
0x11: {  	v3 =	vsel vm11, $0x13E3, v3;
	v4 =	vsel vm11, $0x2003, v4;
	v5 =	vsel vm11, $0x23E3, v5  }
0x12: {  	v6 =	vsel vm11, $0x3003, v6;
	v7 =	vsel vm11, $0x33E3, v7;
	v0 =	vsel vm10, $0x3E4, v0  }
0x13: {  	v1 =	vnsel vm0, $0xF, v1;
	v2 =	vand.u32 $0xF, v2;
	v3 =	vsel vm10, $0x13E4, v3  }
0x14: {  	v4 =	vsel vm10, $0x2004, v4;
	v5 =	vsel vm10, $0x23E4, v5;
	v6 =	vsel vm10, $0x3004, v6  }
0x15: {  	v7 =	vsel vm10, $0x33E4, v7;
	v0 =	vsel vm9, $0x3E5, v0;
	v1 =	vsel vm9, $0x3E8, v1  }
0x16: {  	v3 =	vsel vm9, $0x13E5, v3;
	v4 =	vsel vm9, $0x23E8, v4;
	v5 =	vsel vm9, $0x23E5, v5  }
0x17: {  	v6 =	vsel vm9, $0x33E8, v6;
	v7 =	vsel vm9, $0x33E5, v7;
	v0 =	vsel vm8, $0x3E6, v0  }
0x18: {  	v1 =	vsel vm15, v2, v1;
	vm15 =	vcmask $0x3B38;
	v3 =	vsel vm8, $0x13E6, v3  }
0x19: {  	v4 =	vsel vm8, $0x2006, v4;
	v5 =	vsel vm8, $0x23E6, v5;
	v0 =	vsel vm7, $0x3E7, v0  }
0x1a: {  	v6 =	vsel vm8, $0x3006, v6;
	v7 =	vsel vm8, $0x33E6, v7;
	v0 =	vsel vm6, $0x5, v0  }
0x1b: {  	v3 =	vsel vm7, $0x13E7, v3;
	v4 =	vsel vm7, $0x2007, v4;
	v0 =	vsel vm5, $0x3E9, v0  }
0x1c: {  	v5 =	vsel vm7, $0x23E7, v5;
	v6 =	vsel vm7, $0x3007, v6;
	v0 =	vsel vm4, $0x3EA, v0  }
0x1d: {  	v7 =	vsel vm7, $0x33E7, v7;
	v3 =	vsel vm6, $0x1005, v3;
	v0 =	vsel vm3, $0x3EB, v0  }
0x1e: {  	v4 =	vsel vm6, $0x2008, v4;
	v5 =	vsel vm6, $0x2005, v5;
	v0 =	vsel vm2, $0x3EC, v0  }
0x1f: {  	s11 =	rddreg [dreg:$0x0];
	v6 =	vsel vm6, $0x3008, v6;
	v7 =	vsel vm6, $0x3005, v7;
	v2 =	vsel vm1, $0x3ED, v0  }
0x20: {  	s3 =	rddreg [dreg:$0x1];
	s2 =	srdreg.scid;
	v0 =	vsel vm15, $0xE, v1;
	v1 =	vsel vm15, $0x3EE, v2;
	v2 =	vimm.s32 $0x100F  }
0x21: {  	s0 =	rddreg [dreg:$0x2];
	s1 =	stileid.u32;
	s15 =	simm.s32 $0xC000;
	v3 =	vsel vm5, $0x13E9, v3;
	v4 =	vsel vm5, $0x2009, v4;
	v2 =	vsel vm14, $0x1000, v2  }
0x22: {  	s16 =	simm.s32 $0x1;
	s17 =	simm.s32 $0x2;
	s18 =	simm.s32 $0x3;
	v5 =	vsel vm5, $0x23E9, v5;
	v6 =	vsel vm5, $0x3009, v6;
	v2 =	vsel vm13, $0x1001, v2  }
0x23: {  	s19 =	simm.s32 $0x4;
	s20 =	simm.s32 $0x5;
	s21 =	simm.s32 $0x6;
	v7 =	vsel vm5, $0x33E9, v7;
	v3 =	vsel vm4, $0x13EA, v3;
	v2 =	vsel vm12, $0x1002, v2  }
0x24: {  	s22 =	simm.s32 $0x7;
	s23 =	simm.s32 $0x8;
	s24 =	simm.s32 $0x0;
	v4 =	vsel vm4, $0x200A, v4;
	v5 =	vsel vm4, $0x23EA, v5;
	v2 =	vsel vm11, $0x1003, v2  }
0x25: {  	s4 =	sand.u32 $0x1, s2;
	s2 =	simm.s32 $0x0;
	s6 =	sshll.u32 s1, $0x14;
	v6 =	vsel vm4, $0x300A, v6;
	v7 =	vsel vm4, $0x33EA, v7;
	v2 =	vsel vm10, $0x1004, v2  }
0x26: {  	s5 =	sshll.u32 s4, $0x18;
	[smem:$0x7FF] =	sst s2;
	s4 =	ssub.s32 $0x2, s4;
	v3 =	vsel vm3, $0x13EB, v3;
	v4 =	vsel vm3, $0x200B, v4;
	v2 =	vsel vm9, $0x13E8, v2  }
0x27: {  	s9 =	sor.u32 s6, s5;
	_ =	strace $0x8000004A;
	s29 =	sshrl.u32 s4, $0x1;
	v5 =	vsel vm3, $0x23EB, v5;
	v6 =	vsel vm3, $0x300B, v6;
	v2 =	vsel vm8, $0x1006, v2  }
0x28: {  	s5 =	sshrl.u32 s9, $0x3;
	s7 =	ssub.s32 s4, s29;
	s8 =	sor.u32 $0x1C000, s9;
	v7 =	vsel vm3, $0x33EB, v7;
	v3 =	vsel vm2, $0x13EC, v3;
	v2 =	vsel vm7, $0x1007, v2  }
0x29: {  	s10 =	sor.u32 $0x18000, s9;
	s13 =	sor.u32 $0x14000, s9;
	s14 =	sor.u32 $0x10000, s9;
	v4 =	vsel vm2, $0x200C, v4;
	v5 =	vsel vm2, $0x23EC, v5;
	v2 =	vsel vm6, $0x1008, v2  }
0x2a: {  	s12 =	sadd.s32 s5, s3;
	s3 =	sadd.s32 s11, s5;
	s8 =	sshrl.u32 s8, $0x3;
	v6 =	vsel vm2, $0x300C, v6;
	v7 =	vsel vm2, $0x33EC, v7;
	v2 =	vsel vm5, $0x1009, v2  }
.Ltmp0:
0x2b: {  	s7 =	smax.u32 s7, $0x1;
	s10 =	sshrl.u32 s10, $0x3;
	v3 =	vsel vm1, $0x13ED, v3;
	v4 =	vsel vm1, $0x200D, v4;
	v2 =	vsel vm4, $0x100A, v2;
	(pc) =	sbr.rel .LBB2_1-.Ltmp0, $4  }
0x2c: {  	s30 =	sshrl.u32 s13, $0x3;
	s31 =	sshrl.u32 s14, $0x3;
	s13 =	simm.s32 $0x4000;
	v5 =	vsel vm1, $0x23ED, v5;
	v6 =	vsel vm1, $0x300D, v6;
	v2 =	vsel vm3, $0x100B, v2  }
0x2d: {  	s14 =	simm.s32 $0x8000;
	s4 =	sadd.s32 $0x800, s3;
	s5 =	sadd.s32 $0x1000, s3;
	v7 =	vsel vm1, $0x33ED, v7;
	v3 =	vsel vm15, $0x13EE, v3;
	v2 =	vsel vm2, $0x100C, v2  }
0x2e: {  	s6 =	sadd.s32 $0x1800, s3;
	s8 =	sadd.s32 s8, s11;
	s9 =	sadd.s32 s10, s11;
	v4 =	vsel vm15, $0x200E, v4;
	v5 =	vsel vm15, $0x23EE, v5;
	v2 =	vsel vm1, $0x100D, v2  }
0x2f: {  	s10 =	sadd.s32 s30, s11;
	s11 =	sadd.s32 s31, s11;
	s12 =	sadd.s32 $0x800, s12;
	v6 =	vsel vm15, $0x300E, v6;
	v7 =	vsel vm15, $0x33EE, v7;
	v2 =	vsel vm15, $0x100E, v2  }
.LBB2_4:
0x30: {  	_ =	swait.ge [sflag:s20], $0x4000  }
0x31: {  	[sflag:s20] =	ssyncset.done $0x0  }
0x32: {  	[sflag:s20] =	ssyncadd.s32 $0xFFFFC000  }
0x33: {  	_ =	swait.ge [sflag:s21], $0x4000  }
0x34: {  	[sflag:s21] =	ssyncset.done $0x0  }
0x35: {  	s24 =	sadd.s32 $0x1, s24;
	[sflag:s21] =	ssyncadd.s32 $0xFFFFC000  }
0x36: {  	p0 =	sne.s32 s24, s7;
	_ =	swait.ge [sflag:s22], $0x4000  }
.Ltmp1:
0x37: {  	[sflag:s22] =	ssyncset.done $0x0;
	(pc) =	sbr.rel @!p0 .LBB2_5-.Ltmp1, $4  }
0x38: {  	[sflag:s22] =	ssyncadd.s32 $0xFFFFC000  }
0x39: {  	_ =	swait.ge [sflag:s23], $0x4000  }
0x3a: {  	[sflag:s23] =	ssyncset.done $0x0  }
0x3b: {  	[sflag:s23] =	ssyncadd.s32 $0xFFFFC000  }
.LBB2_1:
0x3c: {  	[tilespmem:s2], [sflag:$0x1] =	stream.linear.gather [hbm4b:s3+s2], $0x4000, $0x38;
	[tilespmem:$0x10000] =	vst v63  }
0x3d: {  	_ = 	snop  }
0x3e: {  	[tilespmem:s13], [sflag:$0x2] =	stream.linear.gather [hbm4b:s4+s2], $0x4000, $0x38;
	[tilespmem:$0x10000] =	vst v63  }
0x3f: {  	_ = 	snop  }
0x40: {  	[tilespmem:s14], [sflag:$0x3] =	stream.linear.gather [hbm4b:s5+s2], $0x4000, $0x38;
	[tilespmem:$0x10000] =	vst v63  }
0x41: {  	s25 =	simm.s32 $0x0  }
0x42: {  	[tilespmem:s15], [sflag:$0x4] =	stream.linear.gather [hbm4b:s6+s2], $0x4000, $0x38;
	[tilespmem:$0x10000] =	vst v63  }
.LBB2_2:
0x43: {  	_ = 	snop  }
0x44: {  	_ =	swait.ge [sflag:s16], $0x4000  }
0x45: {  	[sflag:s16] =	ssyncset.done $0x0  }
0x46: {  	[sflag:s16] =	ssyncadd.s32 $0xFFFFC000  }
0x47: {  	v8 =	vld.idx.msk [tilespmem:v0+s2+$0x0], $0xffff  }
0x48: {  	v9 =	vld.idx.msk [tilespmem:v1+s2+$0x0], $0xffff;
	_ =	sdelay $0x3  }
0x49: {  	[tilespmem:$0x0] =	vst v8  }
0x4a: {  	[tilespmem:$0x3E0] =	vst v9  }
0x4b: {  	v8 =	vld.idx.msk [tilespmem:v2+s2+$0x0], $0xffff  }
0x4c: {  	v9 =	vld.idx.msk [tilespmem:v3+s2+$0x0], $0xffff;
	_ =	sdelay $0x3  }
0x4d: {  	[tilespmem:$0x1000] =	vst v8  }
0x4e: {  	[tilespmem:$0x13E0] =	vst v9  }
0x4f: {  	v8 =	vld.idx.msk [tilespmem:v4+s2+$0x0], $0xffff  }
0x50: {  	v9 =	vld.idx.msk [tilespmem:v5+s2+$0x0], $0xffff;
	_ =	sdelay $0x3  }
0x51: {  	[tilespmem:$0x2000] =	vst v8  }
0x52: {  	[tilespmem:$0x23E0] =	vst v9  }
0x53: {  	v8 =	vld.idx.msk [tilespmem:v6+s2+$0x0], $0xffff  }
0x54: {  	v9 =	vld.idx.msk [tilespmem:v7+s2+$0x0], $0xffff;
	_ =	sdelay $0x3  }
0x55: {  	p0 =	seq.s32 s25, $0x1E000;
	[tilespmem:$0x3000] =	vst v8  }
0x56: {  	s26 =	sadd.s32 s25, s12;
	s28 =	simm.s32 @!p0 $0x5;
	[tilespmem:$0x33E0] =	vst v9  }
0x57: {  	[hbm4b:s26+s2] =	stream.linear.scatter [tilespmem:s2], [sflag:$0x5], $0x4000, $0x38;
	[tilespmem:$0x10000] =	vst v63  }
0x58: {  	_ =	swait.ge @!p0 [sflag:s28], $0x4000  }
0x59: {  	[sflag:s28] =	ssyncset.done @!p0 $0x0  }
0x5a: {  	s29 =	simm.s32 @!p0 $0x0;
	[sflag:s28] =	ssyncadd.s32 @!p0 $0xFFFFC000;
	s28 =	sadd.s32 @!p0 s25, s11  }
0x5b: {  	[tilespmem:s29], [sflag:$0x1] =	stream.linear.gather @!p0 [hbm4b:s28+s29], $0x4000, $0x38;
	[tilespmem:$0x10000] =	vst v63  }
0x5c: {  	_ =	swait.ge [sflag:s17], $0x4000  }
0x5d: {  	[sflag:s17] =	ssyncset.done $0x0  }
0x5e: {  	[sflag:s17] =	ssyncadd.s32 $0xFFFFC000  }
0x5f: {  	v8 =	vld.idx.msk [tilespmem:v0+s13+$0x0], $0xffff  }
0x60: {  	v61 =	vld.idx.msk [tilespmem:v1+s13+$0x0], $0xffff;
	_ =	sdelay $0x3  }
0x61: {  	[tilespmem:$0x4000] =	vst v8  }
0x62: {  	[tilespmem:$0x43E0] =	vst v61  }
0x63: {  	v8 =	vld.idx.msk [tilespmem:v2+s13+$0x0], $0xffff  }
0x64: {  	v9 =	vld.idx.msk [tilespmem:v3+s13+$0x0], $0xffff;
	_ =	sdelay $0x3  }
0x65: {  	[tilespmem:$0x5000] =	vst v8  }
0x66: {  	[tilespmem:$0x53E0] =	vst v9  }
0x67: {  	v8 =	vld.idx.msk [tilespmem:v4+s13+$0x0], $0xffff  }
0x68: {  	v9 =	vld.idx.msk [tilespmem:v5+s13+$0x0], $0xffff;
	_ =	sdelay $0x3  }
0x69: {  	[tilespmem:$0x6000] =	vst v8  }
0x6a: {  	[tilespmem:$0x63E0] =	vst v9  }
0x6b: {  	v8 =	vld.idx.msk [tilespmem:v6+s13+$0x0], $0xffff  }
0x6c: {  	v9 =	vld.idx.msk [tilespmem:v7+s13+$0x0], $0xffff;
	_ =	sdelay $0x3  }
0x6d: {  	[tilespmem:$0x7000] =	vst v8  }
0x6e: {  	s30 =	sadd.s32 $0x800, s26;
	s28 =	simm.s32 @!p0 $0x6;
	[tilespmem:$0x73E0] =	vst v9  }
0x6f: {  	[hbm4b:s30+s2] =	stream.linear.scatter [tilespmem:s13], [sflag:$0x6], $0x4000, $0x38;
	[tilespmem:$0x10000] =	vst v63  }
0x70: {  	_ =	swait.ge @!p0 [sflag:s28], $0x4000  }
0x71: {  	[sflag:s28] =	ssyncset.done @!p0 $0x0  }
0x72: {  	s30 =	simm.s32 @!p0 $0x4000;
	[sflag:s28] =	ssyncadd.s32 @!p0 $0xFFFFC000;
	s28 =	sadd.s32 @!p0 s25, s10  }
0x73: {  	[tilespmem:s30], [sflag:$0x2] =	stream.linear.gather @!p0 [hbm4b:s28+s29], $0x4000, $0x38;
	[tilespmem:$0x10000] =	vst v63  }
0x74: {  	_ =	swait.ge [sflag:s18], $0x4000  }
0x75: {  	[sflag:s18] =	ssyncset.done $0x0  }
0x76: {  	[sflag:s18] =	ssyncadd.s32 $0xFFFFC000  }
0x77: {  	v8 =	vld.idx.msk [tilespmem:v0+s14+$0x0], $0xffff  }
0x78: {  	v62 =	vld.idx.msk [tilespmem:v1+s14+$0x0], $0xffff;
	_ =	sdelay $0x3  }
0x79: {  	[tilespmem:$0x8000] =	vst v8  }
0x7a: {  	[tilespmem:$0x83E0] =	vst v62  }
0x7b: {  	v8 =	vld.idx.msk [tilespmem:v2+s14+$0x0], $0xffff  }
0x7c: {  	v9 =	vld.idx.msk [tilespmem:v3+s14+$0x0], $0xffff;
	_ =	sdelay $0x3  }
0x7d: {  	[tilespmem:$0x9000] =	vst v8  }
0x7e: {  	[tilespmem:$0x93E0] =	vst v9  }
0x7f: {  	v8 =	vld.idx.msk [tilespmem:v4+s14+$0x0], $0xffff  }
0x80: {  	v9 =	vld.idx.msk [tilespmem:v5+s14+$0x0], $0xffff;
	_ =	sdelay $0x3  }
0x81: {  	[tilespmem:$0xA000] =	vst v8  }
0x82: {  	[tilespmem:$0xA3E0] =	vst v9  }
0x83: {  	v8 =	vld.idx.msk [tilespmem:v6+s14+$0x0], $0xffff  }
0x84: {  	v9 =	vld.idx.msk [tilespmem:v7+s14+$0x0], $0xffff;
	_ =	sdelay $0x3  }
0x85: {  	[tilespmem:$0xB000] =	vst v8  }
0x86: {  	s31 =	sadd.s32 $0x1000, s26;
	s28 =	simm.s32 @!p0 $0x7;
	[tilespmem:$0xB3E0] =	vst v9  }
0x87: {  	[hbm4b:s31+s2] =	stream.linear.scatter [tilespmem:s14], [sflag:$0x7], $0x4000, $0x38;
	[tilespmem:$0x10000] =	vst v63  }
0x88: {  	_ =	swait.ge @!p0 [sflag:s28], $0x4000  }
0x89: {  	[sflag:s28] =	ssyncset.done @!p0 $0x0  }
0x8a: {  	s30 =	simm.s32 @!p0 $0x8000;
	[sflag:s28] =	ssyncadd.s32 @!p0 $0xFFFFC000;
	s28 =	sadd.s32 @!p0 s25, s9  }
0x8b: {  	[tilespmem:s30], [sflag:$0x3] =	stream.linear.gather @!p0 [hbm4b:s28+s29], $0x4000, $0x38;
	[tilespmem:$0x10000] =	vst v63  }
0x8c: {  	_ =	swait.ge [sflag:s19], $0x4000  }
0x8d: {  	[sflag:s19] =	ssyncset.done $0x0  }
0x8e: {  	[sflag:s19] =	ssyncadd.s32 $0xFFFFC000  }
0x8f: {  	v8 =	vld.idx.msk [tilespmem:v0+s15+$0x0], $0xffff  }
0x90: {  	v63 =	vld.idx.msk [tilespmem:v1+s15+$0x0], $0xffff;
	_ =	sdelay $0x3  }
0x91: {  	[tilespmem:$0xC000] =	vst v8  }
0x92: {  	[tilespmem:$0xC3E0] =	vst v63  }
0x93: {  	v8 =	vld.idx.msk [tilespmem:v2+s15+$0x0], $0xffff  }
0x94: {  	v9 =	vld.idx.msk [tilespmem:v3+s15+$0x0], $0xffff;
	_ =	sdelay $0x3  }
0x95: {  	[tilespmem:$0xD000] =	vst v8  }
0x96: {  	[tilespmem:$0xD3E0] =	vst v9  }
0x97: {  	v8 =	vld.idx.msk [tilespmem:v4+s15+$0x0], $0xffff  }
0x98: {  	v9 =	vld.idx.msk [tilespmem:v5+s15+$0x0], $0xffff;
	_ =	sdelay $0x3  }
0x99: {  	[tilespmem:$0xE000] =	vst v8  }
0x9a: {  	[tilespmem:$0xE3E0] =	vst v9  }
0x9b: {  	v8 =	vld.idx.msk [tilespmem:v6+s15+$0x0], $0xffff  }
0x9c: {  	v9 =	vld.idx.msk [tilespmem:v7+s15+$0x0], $0xffff;
	_ =	sdelay $0x1  }
.Ltmp2:
0x9d: {  	_ = 	snop;
	(pc) =	sbr.rel @p0 .LBB2_4-.Ltmp2, $4  }
0x9e: {  	_ = 	snop  }
0x9f: {  	[tilespmem:$0xF000] =	vst v8  }
0xa0: {  	s26 =	sadd.s32 $0x1800, s26;
	[tilespmem:$0xF3E0] =	vst v9  }
0xa1: {  	[hbm4b:s26+s2] =	stream.linear.scatter [tilespmem:s15], [sflag:$0x8], $0x4000, $0x38;
	[tilespmem:$0x10000] =	vst v63  }
.Ltmp3:
0xa2: {  	(pc) =	sbr.rel .LBB2_2-.Ltmp3, $4  }
0xa3: {  	_ =	swait.ge [sflag:s23], $0x4000  }
0xa4: {  	[sflag:s23] =	ssyncset.done $0x0  }
0xa5: {  	s26 =	sadd.s32 s25, s8;
	s25 =	sadd.s32 $0x2000, s25;
	[sflag:s23] =	ssyncadd.s32 $0xFFFFC000  }
0xa6: {  	[tilespmem:s15], [sflag:$0x4] =	stream.linear.gather [hbm4b:s26+s2], $0x4000, $0x38;
	[tilespmem:$0x10000] =	vst v63  }
.LBB2_5:
0xa7: {  	_ =	sfence.sel $0x180000  }
0xa8: {  	[bflag:$0x0] =	sbarrier.arrive $0xFFFF  }
0xa9: {  	p0 =	sne.s32 s1, $0x0;
	_ =	strace $0x9000004A  }
0xaa: {  	s0 =	sadd.s32 @!p0 $0x100000, s0;
	[bflag:$0x2] =	sbarrier.arrive $0xFFFF  }
0xab: {  	[sflag:s0] =	ssyncadd.tile.s32 @!p0 $0x1;
	_ =	shalt  }
.Lfunc_end2:
_tile_overlayer_lowered:
.L_overlay_start_2:
0xac: {  	(tag) =	ssettag $0x2  }
0xad: {  	s0 =	rddreg [dreg:$0x0];
	s2 =	stileid.u32  }
0xae: {  	s1 =	rddreg [dreg:$0x1];
	p0 =	sne.s32 s2, $0x0  }
0xaf: {  	s3 =	rddreg [dreg:$0x2];
	[bflag:$0x3] =	sbarrier.arrive $0xFFFF;
	s2 =	simm.s32 @!p0 $0x1C09  }
0xb0: {  	[timem:s3], [sflag:s2] =	dma.local @!p0 [hbm:s0], s1  }
0xb1: {  	s0 =	simm.s32 @!p0 $0x9  }
0xb2: {  	_ =	swait.ge @!p0 [sflag:s0], s1  }
0xb3: {  	s1 =	ssub.s32 @!p0 $0x0, s1;
	[sflag:s0] =	ssyncset.done @!p0 $0x0  }
0xb4: {  	[sflag:s0] =	ssyncadd.s32 @!p0 s1  }
0xb5: {  	[bflag:$0x3] =	sbarrier.arrive $0xFFFF  }
0xb6: {  	_ =	shalt  }

// kernel: sparse-core-data-format-call.cloned.1.call-start
scs
called_computation_lowered:
.L_overlay_start_0:
0x0: {  	s2 =	sld [smem:$0x3FD9]  }
0x1: {  	s3 =	sld [smem:$0x3FFE];
	_ =	sdelay $0x1  }
0x2: {  	s1 =	srdreg.scid  }
0x3: {  	s0 =	sand.u32 $0x1, s1  }
0x4: {  	s19 =	sshll.u32 s0, $0xA;
	s2 =	sadd.s32 s3, s2  }
0x5: {  	s2 =	sadd.s32 s2, s19  }
0x6: {  	[smem:$0x3FC7] =	sst s2  }
0x7: {  	_ = 	snop  }
0x8: {  	s2 =	sld [smem:$0x3FC9]  }
0x9: {  	s20 =	sld [smem:$0x3FD0];
	(tm) =	ssettm $0x1  }
0xa: {  	s4 =	sld [smem:$0x3FFB];
	_ =	sdelay $0x3  }
0xb: {  	_ =	strace s4  }
0xc: {  	s4 =	sld [smem:$0x3FFC];
	_ =	sdelay $0x3  }
0xd: {  	_ =	strace s4  }
0xe: {  	s4 =	sld [smem:$0x3FFD];
	_ =	sdelay $0x3  }
0xf: {  	_ =	strace s4  }
0x10: {  	_ =	strace $0x8FFFFFFF  }
0x11: {  	s21 =	sld [smem:$0x3FDB];
	_ =	sdelay $0x1  }
0x12: {  	s5 =	simm.s32 $_scs_section_size  }
0x13: {  	s6 =	simm.s32 $_size__tile_overlayer_lowered;
	s7 =	simm.s32 $_tile_overlayer_lowered  }
0x14: {  	s24 =	simm.s32 $0x1BFF;
	s23 =	sshll.u32 s7, $0x1;
	s4 =	sadd.s32 s5, s21  }
0x15: {  	s8 =	simm.s32 $0x0;
	s22 =	sshll.u32 s6, $0x1;
	s6 =	sadd.s32 s23, s4  }
0x16: {  	[timem:s8], [sflag:s24] =	dma.local [hbm:s6], s22  }
0x17: {  	_ =	swait.ge [sflag:s24], s22  }
0x18: {  	s5 =	ssub.s32 $0x0, s22;
	[sflag:s24] =	ssyncset.done $0x0  }
0x19: {  	[sflag:s24] =	ssyncadd.s32 s5;
	_ =	sdelay $0x1  }
0x1a: {  	s25 =	simm.s32 $0x1B8B  }
0x1b: {  	_ =	swait.ge [sflag:s25], $0x1  }
0x1c: {  	[sflag:s25] =	ssyncset.done $0x0  }
0x1d: {  	s26 =	simm.s32 $0x1B8E;
	[sflag:s25] =	ssyncadd.s32 $0xFFFFFFFF  }
0x1e: {  	s27 =	simm.s32 $execute0_lowered;
	[smem:$0x3FD2] =	sst s26  }
0x1f: {  	s5 =	sshll.u32 s27, $0x1;
	_ =	strace $0x80000046;
	[dreg:$0x1] =	wrdreg $0xFFFFFFFF  }
0x20: {  	s28 =	simm.s32 $_size_execute0_lowered;
	s4 =	sadd.s32 s4, s5;
	[dreg:$0x0] =	wrdreg $0x0  }
0x21: {  	s5 =	sshll.u32 s28, $0x1;
	[dreg:$0x2] =	wrdreg s4  }
0x22: {  	[dreg:$0x3] =	wrdreg s5  }
0x23: {  	[dreg:$0x4] =	wrdreg $0xC0  }
0x24: {  	_ =	task [dreg:s8], $0x5FFFF  }
0x25: {  	[dreg:$0x1] =	wrdreg $0xFFFFFFFF  }
0x26: {  	[dreg:$0x0] =	wrdreg $0x60  }
0x27: {  	[dreg:$0x2] =	wrdreg s2  }
0x28: {  	[dreg:$0x3] =	wrdreg s20  }
0x29: {  	[dreg:$0x4] =	wrdreg $0x9  }
0x2a: {  	_ =	task.clear_ibuf [dreg:s8], $0x5FFFF;
	_ =	strace $0x90000046  }
0x2b: {  	s29 =	simm.s32 $0x9;
	_ =	strace $0x80000048  }
0x2c: {  	_ =	swait.ge [sflag:s29], $0x1  }
0x2d: {  	[sflag:s29] =	ssyncadd.s32 $0xFFFFFFFF  }
0x2e: {  	_ =	strace $0x90000048  }
0x2f: {  	_ =	sfence  }
0x30: {  	s30 =	sld [smem:$0x0];
	_ =	sdelay $0x2  }
0x31: {  	s31 =	sshll.u32 s1, $0xD;
	s1 =	sshrl.u32 s1, $0x2  }
0x32: {  	s3 =	sand.u32 $0x4000, s31;
	s1 =	sadd.s32 s1, s30  }
0x33: {  	s0 =	sor.u32 s3, s0;
	s1 =	sshll.u32 s1, $0x11  }
0x34: {  	s0 =	sor.u32 s1, s0  }
0x35: {  	s0 =	sadd.s32 $0x8F2B, s0  }
0x36: {  	[sflag:s0] =	ssyncadd.remote.s32 $0x1  }
0x37: {  	_ =	sfence.sel $0xFFFF  }
0x38: {  	[dreg:$0x0] =	wrdreg $0xFFFFFFFF;
	(pc) =	sbr.abs _section_cstart, $3  }
0x39: {  	[dreg:$0x1] =	wrdreg $0xFFFFFFFF  }
0x3a: {  	_ =	task.clear_ibuf [dreg:s8], $0x2FFFF;
	_ =	strace $0x9FFFFFFF  }
0x3b: {  	(tm) =	ssettm $0x7FFFFFFF  }
tec
execute0_lowered:
.L_overlay_start_1:
0x0: {  	(tag) =	ssettag $0x1  }
0x1: {  	s2 =	rddreg [dreg:$0x0]  }
0x2: {  	s3 =	rddreg [dreg:$0x1]  }
0x3: {  	s0 =	rddreg [dreg:$0x2];
	_ =	strace $0x80000047  }
0x4: {  	s4 =	srdreg.scid;
	s1 =	stileid.u32;
	s6 =	simm.s32 $0x2  }
.Ltmp0:
0x5: {  	s11 =	simm.s32 $0x0;
	p0 =	por $0x0, $0x0;
	(pc) =	sbr.rel .LBB1_1-.Ltmp0, $4  }
0x6: {  	s7 =	simm.s32 $0x1000;
	s12 =	simm.s32 $0x0;
	s5 =	sshll.u32 s4, $0x4  }
0x7: {  	s9 =	simm.s32 $0x0;
	s4 =	simm.s32 $0x1;
	s5 =	sand.u32 $0x10, s5  }
0x8: {  	s8 =	simm.s32 $0x0;
	[sflag:s4] =	ssyncpa.u1 $0x0;
	s5 =	sor.u32 s1, s5  }
0x9: {  	[sflag:s6] =	ssyncpa.u1 $0x0;
	s6 =	simm.s32 $0x800;
	s10 =	smov.u32 s5  }
.LBB1_7:
0xa: {  	s13 =	sadd.s32 $0x10, s9  }
0xb: {  	s11 =	sadd.s32 $0x20, s10;
	s15 =	smov.u32 s10;
	p2 =	sgt.s32 s13, $0x1F  }
0xc: {  	p1 =	slt.u32 s8, $0x2;
	s15 =	smov.u32 @p2 s11  }
0xd: {  	s8 =	sadd.s32 $0x1, s8;
	s13 =	simm.s32 @p2 $0x0;
	p2 =	sgt.s32 s15, $0x3FF  }
0xe: {  	s15 =	smov.u32 @p2 s5;
	p2 =	sne.s32 s8, $0x42  }
.Ltmp1:
0xf: {  	_ = 	snop;
	(pc) =	sbr.rel @!p2 .LBB1_8-.Ltmp1, $4  }
0x10: {  	s14 =	simm.s32 @!p1 $0x2  }
0x11: {  	s12 =	smov.u32 s10;
	_ =	swait.ge @!p1 [sflag:s14], $0x4000  }
0x12: {  	p0 =	por !p0, !p0;
	s11 =	smov.u32 s9;
	[sflag:s14] =	ssyncset.done @!p1 $0x0  }
0x13: {  	s9 =	smov.u32 s13;
	[sflag:s14] =	ssyncadd.s32 @!p1 $0xFFFFC000;
	s10 =	smov.u32 s15  }
.LBB1_1:
0x14: {  	p1 =	sgt.u32 s8, $0x3F  }
0x15: {  	s13 =	sxor.u32 @!p1 $0xFFFFFFFF, s8;
	s14 =	sshll.u32 @!p1 s10, $0xC  }
0x16: {  	s15 =	sshll.u32 @!p1 s9, $0x7;
	s13 =	sshll.u32 @!p1 s13, $0xE;
	s14 =	sadd.s32 @!p1 s2, s14  }
0x17: {  	s13 =	sand.u32 @!p1 $0x4000, s13;
	s14 =	sadd.s32 @!p1 s15, s14;
	s15 =	simm.s32 @!p1 $0x0  }
0x18: {  	[tilespmem:s13], [sflag:$0x1] =	stream.linear.gather @!p1 [hbm4b:s14+s15], $0x4000, $0x38;
	[tilespmem:$0x10000] =	vst v63  }
0x19: {  	p1 =	seq.s32 s8, $0x0  }
0x1a: {  	p2 =	seq.s32 @!p1 s8, $0x41  }
0x1b: {  	p1 =	por p1, p2  }
.Ltmp2:
0x1c: {  	_ = 	snop;
	(pc) =	sbr.rel @p1 .LBB1_7-.Ltmp2, $1  }
0x1d: {  	_ =	sdelay $0x3  }
0x1e: {  	s13 =	simm.s32 $0x1;
	_ =	swait.ge [sflag:s4], $0x4000;
	s16 =	sshll.u32 s8, $0xE  }
0x1f: {  	s13 =	simm.s32 @!p0 $0x0;
	[sflag:s4] =	ssyncset.done $0x0;
	s31 =	sand.u32 $0x4000, s16  }
0x20: {  	s16 =	simm.s32 $0x0;
	s14 =	sshll.u32 s13, $0xE;
	[sflag:s4] =	ssyncadd.s32 $0xFFFFC000  }
0x21: {  	s13 =	sor.u32 $0x8040, s14;
	s15 =	sor.u32 $0x40, s14;
	s14 =	sor.u32 $0x8000, s31  }
.LBB1_3:
0x22: {  	v0 =	vmov s15;
	_ =	sdelay $0x3  }
0x23: {  	s18 =	simm.s32 $0x0  }
0x24: {  	v6 =	vld.idx.msk [tilespmem:v0+s18+$0x30 ss:$0x1], $0xffff  }
0x25: {  	v7 =	vld.idx.msk [tilespmem:v0+s18+$0xFFFFFFC0 ss:$0x1], $0xffff  }
0x26: {  	v5 =	vld.idx.msk [tilespmem:v0+s18+$0xFFFFFFD0 ss:$0x1], $0xffff  }
0x27: {  	v4 =	vld.idx.msk [tilespmem:v0+s18+$0xFFFFFFE0 ss:$0x1], $0xffff  }
0x28: {  	v3 =	vld.idx.msk [tilespmem:v0+s18+$0xFFFFFFF0 ss:$0x1], $0xffff  }
0x29: {  	v1 =	vld.idx.msk [tilespmem:v0+s18+$0x0 ss:$0x1], $0xffff  }
0x2a: {  	v2 =	vld.idx.msk [tilespmem:v0+s18+$0x10 ss:$0x1], $0xffff;
	[tilespmem:s13+$0x30] =	vst v6  }
0x2b: {  	s17 =	simm.s32 $0x80;
	s19 =	simm.s32 $0x400;
	[tilespmem:s13+$0xFFFFFFC0] =	vst v7;
	v6 =	vld.idx.msk [tilespmem:v0+s18+$0x20 ss:$0x1], $0xffff;
	s18 =	smov.u32 s13  }
.LBB1_4:
0x2c: {  	p1 =	sne.s32 s19, $0xE00;
	v7 =	vld.idx.msk [tilespmem:v0+s17+$0x30 ss:$0x1], $0xffff;
	[tilespmem:s18+$0xFFFFFFD0] =	vst v5  }
0x2d: {  	v8 =	vld.idx.msk [tilespmem:v0+s17+$0xFFFFFFC0 ss:$0x1], $0xffff;
	[tilespmem:s18+$0xFFFFFFE0] =	vst v4  }
0x2e: {  	v5 =	vld.idx.msk [tilespmem:v0+s17+$0xFFFFFFD0 ss:$0x1], $0xffff;
	[tilespmem:s18+$0xFFFFFFF0] =	vst v3  }
.Ltmp3:
0x2f: {  	v4 =	vld.idx.msk [tilespmem:v0+s17+$0xFFFFFFE0 ss:$0x1], $0xffff;
	[tilespmem:s18+$0x0] =	vst v1;
	(pc) =	sbr.rel @p1 .LBB1_4-.Ltmp3, $4  }
0x30: {  	v3 =	vld.idx.msk [tilespmem:v0+s17+$0xFFFFFFF0 ss:$0x1], $0xffff;
	[tilespmem:s18+$0x10] =	vst v2  }
0x31: {  	v1 =	vld.idx.msk [tilespmem:v0+s17+$0x0 ss:$0x1], $0xffff;
	[tilespmem:s18+$0x20] =	vst v6;
	s18 =	sadd.s32 $0x800, s18  }
0x32: {  	v2 =	vld.idx.msk [tilespmem:v0+s17+$0x10 ss:$0x1], $0xffff;
	[tilespmem:s18+$0x30] =	vst v7  }
0x33: {  	[tilespmem:s18+$0xFFFFFFC0] =	vst v8;
	v6 =	vld.idx.msk [tilespmem:v0+s17+$0x20 ss:$0x1], $0xffff;
	s17 =	sshra.s32 s19, $0x2;
	s19 =	sadd.s32 $0x200, s19  }
0x34: {  	_ =	sdelay $0x2  }
0x35: {  	[tilespmem:s18+$0xFFFFFFD0] =	vst v5  }
0x36: {  	v56 =	vld.idx.msk [tilespmem:v0+s17+$0x30 ss:$0x1], $0xffff;
	[tilespmem:s18+$0xFFFFFFE0] =	vst v4  }
0x37: {  	v57 =	vld.idx.msk [tilespmem:v0+s17+$0xFFFFFFC0 ss:$0x1], $0xffff;
	[tilespmem:s18+$0xFFFFFFF0] =	vst v3  }
0x38: {  	v58 =	vld.idx.msk [tilespmem:v0+s17+$0xFFFFFFD0 ss:$0x1], $0xffff;
	[tilespmem:s18+$0x0] =	vst v1  }
0x39: {  	v59 =	vld.idx.msk [tilespmem:v0+s17+$0xFFFFFFE0 ss:$0x1], $0xffff;
	[tilespmem:s18+$0x10] =	vst v2  }
0x3a: {  	v60 =	vld.idx.msk [tilespmem:v0+s17+$0xFFFFFFF0 ss:$0x1], $0xffff;
	s31 =	sadd.s32 $0x800, s18;
	[tilespmem:s18+$0x20] =	vst v6  }
0x3b: {  	v61 =	vld.idx.msk [tilespmem:v0+s17+$0x0 ss:$0x1], $0xffff;
	[tilespmem:s31+$0x30] =	vst v56  }
0x3c: {  	v62 =	vld.idx.msk [tilespmem:v0+s17+$0x10 ss:$0x1], $0xffff;
	s16 =	sadd.s32 $0x1, s16;
	[tilespmem:s31+$0xFFFFFFC0] =	vst v57  }
0x3d: {  	v63 =	vld.idx.msk [tilespmem:v0+s17+$0x20 ss:$0x1], $0xffff;
	p1 =	sne.s32 s16, $0x10;
	[tilespmem:s31+$0xFFFFFFD0] =	vst v58  }
.Ltmp4:
0x3e: {  	[tilespmem:s31+$0xFFFFFFE0] =	vst v59;
	(pc) =	sbr.rel @p1 .LBB1_3-.Ltmp4, $4  }
0x3f: {  	[tilespmem:s31+$0xFFFFFFF0] =	vst v60  }
0x40: {  	[tilespmem:s31+$0x0] =	vst v61  }
0x41: {  	[tilespmem:s31+$0x10] =	vst v62  }
0x42: {  	s13 =	sadd.s32 $0x80, s13;
	s15 =	sadd.s32 $0x400, s15;
	[tilespmem:s31+$0x20] =	vst v63  }
.Ltmp5:
0x43: {  	(pc) =	sbr.rel .LBB1_7-.Ltmp5, $4  }
0x44: {  	s12 =	sshll.u32 s12, $0xC;
	s11 =	sshll.u32 s11, $0x4  }
0x45: {  	s11 =	sand.u32 $0x1F0, s11;
	s12 =	sadd.s32 s3, s12  }
0x46: {  	s11 =	sadd.s32 s11, s12  }
0x47: {  	[hbm4b:s11+s6] =	stream.strided.scatter [tilespmem:s14], [sflag:$0x2], $0x4000, s7, s6, $0x38;
	[tilespmem:$0x10000] =	vst v63  }
.LBB1_8:
0x48: {  	_ =	sfence.sel $0x180000  }
0x49: {  	s2 =	simm.s32 $0x1;
	[bflag:$0x0] =	sbarrier.arrive $0xFFFF  }
0x4a: {  	s31 =	simm.s32 $0x2;
	[sflag:s2] =	ssyncpa.u1 $0x1  }
0x4b: {  	[sflag:s31] =	ssyncpa.u1 $0x1  }
0x4c: {  	p0 =	sne.s32 s1, $0x0;
	_ =	strace $0x90000047  }
0x4d: {  	s0 =	sadd.s32 @!p0 $0x100000, s0;
	[bflag:$0x2] =	sbarrier.arrive $0xFFFF  }
0x4e: {  	[sflag:s0] =	ssyncadd.tile.s32 @!p0 $0x1;
	_ =	shalt  }
.Lfunc_end1:
_tile_overlayer_lowered:
.L_overlay_start_2:
0x4f: {  	(tag) =	ssettag $0x2  }
0x50: {  	s0 =	rddreg [dreg:$0x0];
	s2 =	stileid.u32  }
0x51: {  	s1 =	rddreg [dreg:$0x1];
	p0 =	sne.s32 s2, $0x0  }
0x52: {  	s3 =	rddreg [dreg:$0x2];
	[bflag:$0x3] =	sbarrier.arrive $0xFFFF;
	s2 =	simm.s32 @!p0 $0x1C01  }
0x53: {  	[timem:s3], [sflag:s2] =	dma.local @!p0 [hbm:s0], s1  }
0x54: {  	s0 =	simm.s32 @!p0 $0x1  }
0x55: {  	_ =	swait.ge @!p0 [sflag:s0], s1  }
0x56: {  	s1 =	ssub.s32 @!p0 $0x0, s1;
	[sflag:s0] =	ssyncset.done @!p0 $0x0  }
0x57: {  	[sflag:s0] =	ssyncadd.s32 @!p0 s1  }
0x58: {  	[bflag:$0x3] =	sbarrier.arrive $0xFFFF  }
0x59: {  	_ =	shalt  }

</sc_bundles>
